<compile_context>
chip_gen: v7x
topology: tpu7x:2x2x1
jax: 0.10.2.dev20260603
libtpu: 0.0.44.dev20260713+nightly
codegen_flags: <defaults>
</compile_context>

<pallas_src>
import functools
from itertools import product

import numpy as np
import jax
import jax.numpy as jnp
from jax import lax
from jax.experimental import pallas as pl
from jax.experimental.pallas import tpu as pltpu
from jax.experimental.pallas import tpu_sc as plsc

_tetra = np.array(
    [[0.0, 0.0, 1.0],
     [(8.0 / 9.0) ** 0.5, 0.0, -1.0 / 3.0],
     [-(2.0 / 9.0) ** 0.5, (2.0 / 3.0) ** 0.5, -1.0 / 3.0],
     [-(2.0 / 9.0) ** 0.5, -(2.0 / 3.0) ** 0.5, -1.0 / 3.0]],
    dtype=np.float32)
_confs = np.array(list(product(range(4), repeat=4)), dtype=np.int32)
_vecs = _tetra[_confs]
_VCONST = np.concatenate([
    _vecs.transpose(1, 2, 0).reshape(-1),
    _vecs.reshape(-1),
])

_HID, _VIS, _LP, _WH, _WV, _BH, _BV, _CONF, _WS = (
    0, 96, 192, 208, 256, 304, 316, 328, 344)
_PLEN = 344 + 4096

_GDN = lax.GatherDimensionNumbers(
    offset_dims=(), collapsed_slice_dims=(0,), start_index_map=(0,))


def _vtake(x, idx):
    return lax.gather(x, idx[:, None], _GDN, (1,),
                      mode=lax.GatherScatterMode.PROMISE_IN_BOUNDS)


def _splat_i(v):
    return lax.broadcast(jnp.asarray(v, jnp.int32), (16,))


def _rsqrt(x):
    b = plsc.bitcast(x, jnp.int32)
    y = plsc.bitcast(jnp.int32(0x5F3759DF) - (b >> 1), jnp.float32)
    for _ in range(3):
        y = y * (1.5 - 0.5 * x * y * y)
    return y


def _vlog(x):
    b = plsc.bitcast(x, jnp.int32)
    e = ((b >> 23) & 0xFF) - 127
    m = plsc.bitcast((b & 0x007FFFFF) | 0x3F800000, jnp.float32)
    big = m > 1.4142135
    m = jnp.where(big, 0.5 * m, m)
    e = e + jnp.where(big, 1, 0)
    t = (m - 1.0) / (m + 1.0)
    t2 = t * t
    p = 2.0 * t * (1.0 + t2 * (1.0 / 3.0 + t2 * (0.2 + t2 * (1.0 / 7.0 + t2 * (1.0 / 9.0)))))
    return e.astype(jnp.float32) * 0.6931471805599453 + p


def _body(p_hbm, vc_hbm, out_hbm, pv, vcv, btab, ytab, wtab, sem):
    cps = [pltpu.async_copy(p_hbm, pv, sem),
           pltpu.async_copy(vc_hbm, vcv, sem)]
    for c in cps:
        c.wait()

    lane = lax.iota(jnp.int32, 16)
    mrow = lane // 3
    vcomp = lane - 3 * mrow
    in12 = lane < 12
    rot1 = jnp.where(in12, 3 * mrow + (vcomp + 1) % 3, lane)
    rot2 = jnp.where(in12, 3 * mrow + (vcomp + 2) % 3, lane)
    safe_lane = jnp.where(in12, lane, 0)
    safe_row = jnp.where(in12, mrow, 0)

    def wfill(i, carry):
        a = i // 4
        j = i - 4 * a
        wtab[pl.ds(i * 16, 16)] = plsc.load_gather(
            pv, [_WH + a * 16 + safe_row * 4 + j])
        wtab[pl.ds((12 + i) * 16, 16)] = plsc.load_gather(
            pv, [_WV + a * 16 + safe_row * 4 + j])
        return carry

    lax.fori_loop(0, 12, wfill, 0)

    def bfill(a, carry):
        wtab[pl.ds((24 + a) * 16, 16)] = plsc.load_gather(
            pv, [_BH + a * 4 + safe_row])
        wtab[pl.ds((27 + a) * 16, 16)] = plsc.load_gather(
            pv, [_BV + a * 4 + safe_row])
        return carry

    lax.fori_loop(0, 3, bfill, 0)

    def bfold(i, carry):
        wregs = [plsc.load_gather(pv, [_WS + i * 256 + lane * 16 + r])
                 for r in range(16)]
        vv = [vcv[pl.ds(r * 256 + i * 16, 16)] for r in range(12)]
        for h in range(4):
            for v in range(3):
                acc = vv[v] * wregs[h]
                for b in range(1, 4):
                    acc = acc + vv[b * 3 + v] * wregs[b * 4 + h]
                btab[pl.ds((h * 3 + v) * 256 + i * 16, 16)] = acc
        return carry

    lax.fori_loop(0, 16, bfold, 0)

    def local_update(base, wbase, bbase, t):
        tot = None
        for a, bit in enumerate((4, 2, 1)):
            nb = base + (t ^ bit) * 12
            prev = plsc.load_gather(pv, [nb + safe_lane])
            sq = prev * prev
            ln2 = sq + _vtake(sq, rot1) + _vtake(sq, rot2)
            inv = _rsqrt(ln2)
            lng = ln2 * inv
            acc = wtab[pl.ds((bbase + a) * 16, 16)]
            for j in range(4):
                acc = acc + (wtab[pl.ds((wbase + a * 4 + j) * 16, 16)]
                             * _vtake(lng, _splat_i(j * 3)))
            xe = jnp.where(acc > 0, acc, jnp.exp(acc) - 1.0)
            contrib = xe * prev * inv
            tot = contrib if tot is None else tot + contrib
        return tot

    lp = pv[pl.ds(_LP, 16)]
    conf_f = pv[pl.ds(_CONF, 16)]

    def step(t, lp):
        loc = (local_update(_HID, 0, 24, t)
               + local_update(_VIS, 12, 27, t))
        plsc.store_scatter(pv, [_HID + t * 12 + safe_lane], loc, mask=in12)
        lb = [_vtake(loc, _splat_i(d)) for d in range(12)]

        def ybody(i, mv):
            acc = btab[pl.ds(i * 16, 16)] * lb[0]
            for d in range(1, 12):
                acc = acc + btab[pl.ds(d * 256 + i * 16, 16)] * lb[d]
            ytab[pl.ds(i * 16, 16)] = acc
            return jnp.maximum(mv, acc)

        mvec = lax.fori_loop(0, 16, ybody,
                             jnp.full((16,), -jnp.inf, jnp.float32))
        msp = lax.broadcast(jnp.max(mvec), (16,))

        def sbody(i, sv):
            return sv + jnp.exp(ytab[pl.ds(i * 16, 16)] - msp)

        svec = lax.fori_loop(0, 16, sbody, jnp.zeros((16,), jnp.float32))
        logs = _vlog(lax.broadcast(jnp.sum(svec), (16,)))

        cvec = plsc.bitcast(_vtake(conf_f, lax.broadcast(t, (16,))),
                            jnp.int32)
        ycv = plsc.load_gather(ytab, [cvec])
        lp = lp + 0.5 * (ycv - msp - logs)

        vis_new = plsc.load_gather(vcv, [3072 + cvec * 12 + safe_lane])
        plsc.store_scatter(pv, [_VIS + t * 12 + safe_lane], vis_new,
                           mask=in12)
        return lp

    lp = lax.fori_loop(0, 8, step, lp)

    pv[pl.ds(_LP, 16)] = lp
    pltpu.sync_copy(pv.at[pl.ds(0, 208)], out_hbm)


@functools.cache
def _sc_call():
    f32 = jnp.float32
    return pl.kernel(
        _body,
        out_type=jax.ShapeDtypeStruct((208,), f32),
        mesh=plsc.VectorSubcoreMesh(core_axis_name="c", subcore_axis_name="s",
                                    num_cores=1, num_subcores=1),
        compiler_params=pltpu.CompilerParams(needs_layout_passes=False),
        scratch_types=[
            pltpu.VMEM((_PLEN,), f32),
            pltpu.VMEM((6144,), f32),
            pltpu.VMEM((3072,), f32),
            pltpu.VMEM((256,), f32),
            pltpu.VMEM((480,), f32),
            pltpu.SemaphoreType.DMA,
        ],
    )


def kernel(key, hidden_state, visible_state, logpsi, linear_conf, n,
           W_h, W_v, b_h, b_v, W_s):
    del key, n
    packed = jnp.concatenate([
        hidden_state.reshape(96), visible_state.reshape(96),
        logpsi.reshape(1), jnp.zeros((15,), jnp.float32),
        W_h.reshape(48), W_v.reshape(48), b_h.reshape(12), b_v.reshape(12),
        lax.bitcast_convert_type(linear_conf, jnp.float32),
        jnp.zeros((8,), jnp.float32),
        W_s.reshape(4096),
    ])
    out = _sc_call()(packed, jnp.asarray(_VCONST))
    return (out[0:96].reshape(2, 2, 2, 4, 3),
            out[96:192].reshape(2, 2, 2, 4, 3),
            out[192], linear_conf)

# --- scband reference (transcript-rebuilt; emitter-appended) ---
"""Pipeline reference for scband-rnncell-41979010351330 (READ-ONLY COPY).

The authoritative reference and input builder live on the scoring server;
editing this copy changes nothing except your own understanding.
"""

import jax, jax.numpy as jnp
import numpy as np
from itertools import product

L = 2
DIM_H = 4
_all_unit_cell_confs = jnp.array(list(product(range(4), repeat=4)))
_tetraeder = jnp.array([[0.0, 0.0, 1.0], [(8.0 / 9.0) ** 0.5, 0.0, -1.0 / 3.0], [-(2.0 / 9.0) ** 0.5, (2.0 / 3.0) ** 0.5, -1.0 / 3.0], [-(2.0 / 9.0) ** 0.5, -(2.0 / 3.0) ** 0.5, -1.0 / 3.0]], dtype=jnp.float32)
_all_unit_cell_vecs = jax.vmap(jax.vmap(lambda i: _tetraeder[i]))(_all_unit_cell_confs)  # (256, 4, 3)
_cell_ids = jnp.array(list(product(range(2), repeat=3)))  # (8, 3)


def setup_inputs(seed: int = 0) -> dict:
    key = jax.random.key(seed)
    ks = jax.random.split(key, 8)
    return {
        'key': jnp.zeros((2,), dtype=jnp.uint32),
        'hidden_state': jax.random.normal(ks[0], (L, L, L, DIM_H, 3), dtype=jnp.float32),
        'visible_state': jax.random.normal(ks[1], (L, L, L, 4, 3), dtype=jnp.float32),
        'logpsi': jnp.zeros((), dtype=jnp.float32),
        'linear_conf': jax.random.randint(ks[2], (8,), 0, 256),
        'n': jnp.arange(8),
        'W_h': 0.05 * jax.random.normal(ks[3], (3, DIM_H, DIM_H), dtype=jnp.float32),
        'W_v': 0.1 * jax.random.normal(ks[4], (3, DIM_H, 4), dtype=jnp.float32),
        'b_h': 0.05 * jax.random.normal(ks[5], (3, DIM_H), dtype=jnp.float32),
        'b_v': 0.05 * jax.random.normal(ks[6], (3, DIM_H), dtype=jnp.float32),
        'W_s': 0.5 * jax.random.normal(ks[7], (256, DIM_H * 4), dtype=jnp.float32),
    }


def _on_prev_state(state, W, i, j, k, b=None):
    prev = jnp.stack([state[(i - 1 + L) % L, j, k], state[i, (j - 1 + L) % L, k], state[i, j, (k - 1 + L) % L]])
    length = jnp.sqrt(jnp.sum(prev ** 2, axis=-1))
    direction = prev / length[..., jnp.newaxis]
    x = jnp.einsum('aij,aj->ai', W, length)
    if b is not None:
        x = x + b
    x = jax.nn.elu(x)
    return jnp.sum(x[..., jnp.newaxis] * direction, axis=0)


def reference(key, hidden_state, visible_state, logpsi, linear_conf, n, W_h, W_v, b_h, b_v, W_s):
    # linear_conf is provided (evaluation branch of the original module), so the
    # PRNG key is carried untouched and the categorical sampling branch is not taken.
    def step(carry, nidx):
        hidden, visible, lp = carry
        ijk = _cell_ids[nidx]
        i, j, k = ijk[0], ijk[1], ijk[2]
        local = _on_prev_state(hidden, W_h, i, j, k, b_h) + _on_prev_state(visible, W_v, i, j, k, b_v)
        hidden = hidden.at[i, j, k].set(local)
        x = jnp.einsum('cbv,hv->cbh', _all_unit_cell_vecs, local).reshape(256, DIM_H * 4)
        y = jnp.sum(W_s * x, axis=1)
        c = linear_conf[nidx]
        lp = lp + 0.5 * jax.nn.log_softmax(y)[c]
        visible = visible.at[i, j, k].set(_all_unit_cell_vecs[c])
        return (hidden, visible, lp), c

    (hidden_f, visible_f, logpsi_f), cs = jax.lax.scan(step, (hidden_state, visible_state, logpsi), n)
    return hidden_f, visible_f, logpsi_f, cs

if __name__ == "__main__":
    import jax
    _d = setup_inputs()
    print(jax.jit(kernel)(*tuple(_d.values())))

</pallas_src>

<mosaic_0001>
#map = affine_map<(d0, d1) -> (0)>
module attributes {stable_mosaic.version = 14 : i64} {
  func.func @_body(%arg0: i32, %arg1: i32, %arg2: memref<4440xf32, #tpu.memory_space<hbm>>, %arg3: memref<6144xf32, #tpu.memory_space<hbm>>, %arg4: memref<208xf32, #tpu.memory_space<hbm>>, %arg5: memref<4440xf32, #tpu.memory_space<vmem>>, %arg6: memref<6144xf32, #tpu.memory_space<vmem>>, %arg7: memref<3072xf32, #tpu.memory_space<vmem>>, %arg8: memref<256xf32, #tpu.memory_space<vmem>>, %arg9: memref<480xf32, #tpu.memory_space<vmem>>, %arg10: memref<!tpu.dma_semaphore, #tpu.memory_space<semaphore_mem>>) attributes {dimension_semantics = [#tpu.dimension_semantics<core_parallel>, #tpu.dimension_semantics<subcore_parallel>], iteration_bounds = array<i64: 1, 1>, scalar_prefetch = 0 : i64, scratch_operands = 6 : i64, tpu.core_type = #tpu.core_type<sc_vector_subcore>, window_params = [{transform_indices = #map}, {transform_indices = #map}, {transform_indices = #map}]} {
    tpu.enqueue_dma source(%arg2 : memref<4440xf32, #tpu.memory_space<hbm>>) target(%arg5 : memref<4440xf32, #tpu.memory_space<vmem>>) target_semaphore(%arg10 : memref<!tpu.dma_semaphore, #tpu.memory_space<semaphore_mem>>)
    tpu.enqueue_dma source(%arg3 : memref<6144xf32, #tpu.memory_space<hbm>>) target(%arg6 : memref<6144xf32, #tpu.memory_space<vmem>>) target_semaphore(%arg10 : memref<!tpu.dma_semaphore, #tpu.memory_space<semaphore_mem>>)
    tpu.wait_dma2 semaphore(%arg10 : memref<!tpu.dma_semaphore, #tpu.memory_space<semaphore_mem>>) src(%arg2 : memref<4440xf32, #tpu.memory_space<hbm>>) dst(%arg5 : memref<4440xf32, #tpu.memory_space<vmem>>)
    tpu.wait_dma2 semaphore(%arg10 : memref<!tpu.dma_semaphore, #tpu.memory_space<semaphore_mem>>) src(%arg3 : memref<6144xf32, #tpu.memory_space<hbm>>) dst(%arg6 : memref<6144xf32, #tpu.memory_space<vmem>>)
    %iota3A = tpu.iota {dimensions = array<i32: 0>} : vector<16xi32>
    %jit3A = arith.constant 3 : i32
    %div3A = vector.broadcast %jit3A : i32 to vector<16xi32>
    %div3A_0 = arith.divsi %iota3A, %div3A : vector<16xi32>
    %sign3A = arith.constant 0 : i32
    %sign3A_1 = vector.broadcast %sign3A : i32 to vector<16xi32>
    %sign3A_2 = arith.cmpi sgt, %iota3A, %sign3A_1 : vector<16xi32>
    %sign3A_3 = arith.extui %sign3A_2 : vector<16xi1> to vector<16xi32>
    %sign3A_4 = arith.constant 0 : i32
    %sign3A_5 = vector.broadcast %sign3A_4 : i32 to vector<16xi32>
    %sign3A_6 = arith.cmpi slt, %iota3A, %sign3A_5 : vector<16xi32>
    %sign3A_7 = arith.extui %sign3A_6 : vector<16xi1> to vector<16xi32>
    %sign3A_8 = arith.subi %sign3A_3, %sign3A_7 : vector<16xi32>
    %sign3A_9 = arith.constant 0 : i32
    %sign3A_10 = arith.cmpi sgt, %jit3A, %sign3A_9 : i32
    %sign3A_11 = arith.extui %sign3A_10 : i1 to i32
    %sign3A_12 = arith.constant 0 : i32
    %sign3A_13 = arith.cmpi slt, %jit3A, %sign3A_12 : i32
    %sign3A_14 = arith.extui %sign3A_13 : i1 to i32
    %sign3A_15 = arith.subi %sign3A_11, %sign3A_14 : i32
    %ne3A = vector.broadcast %sign3A_15 : i32 to vector<16xi32>
    %ne3A_16 = arith.cmpi ne, %sign3A_8, %ne3A : vector<16xi32>
    %rem3A = vector.broadcast %jit3A : i32 to vector<16xi32>
    %rem3A_17 = arith.remsi %iota3A, %rem3A : vector<16xi32>
    %ne3A_18 = arith.constant 0 : i32
    %ne3A_19 = vector.broadcast %ne3A_18 : i32 to vector<16xi32>
    %ne3A_20 = arith.cmpi ne, %rem3A_17, %ne3A_19 : vector<16xi32>
    %and3A = arith.andi %ne3A_16, %ne3A_20 : vector<16xi1>
    %sub3A = arith.constant 1 : i32
    %sub3A_21 = vector.broadcast %sub3A : i32 to vector<16xi32>
    %sub3A_22 = arith.subi %div3A_0, %sub3A_21 : vector<16xi32>
    %select_n3A = arith.select %and3A, %sub3A_22, %div3A_0 : vector<16xi1>, vector<16xi32>
    %mul3A = arith.constant 3 : i32
    %mul3A_23 = vector.broadcast %mul3A : i32 to vector<16xi32>
    %mul3A_24 = arith.muli %mul3A_23, %select_n3A : vector<16xi32>
    %sub3A_25 = arith.subi %iota3A, %mul3A_24 : vector<16xi32>
    %lt3A = arith.constant 12 : i32
    %lt3A_26 = vector.broadcast %lt3A : i32 to vector<16xi32>
    %lt3A_27 = arith.cmpi slt, %iota3A, %lt3A_26 : vector<16xi32>
    %mul3A_28 = arith.constant 3 : i32
    %mul3A_29 = vector.broadcast %mul3A_28 : i32 to vector<16xi32>
    %mul3A_30 = arith.muli %mul3A_29, %select_n3A : vector<16xi32>
    %add3A = arith.constant 1 : i32
    %add3A_31 = vector.broadcast %add3A : i32 to vector<16xi32>
    %add3A_32 = arith.addi %sub3A_25, %add3A_31 : vector<16xi32>
    %jit3A_33 = arith.constant 3 : i32
    %eq3A = arith.constant 0 : i32
    %eq3A_34 = arith.cmpi eq, %jit3A_33, %eq3A : i32
    %jit3A_35 = arith.constant 1 : i32
    %select_n3A_36 = arith.select %eq3A_34, %jit3A_35, %jit3A_33 : i32
    %rem3A_37 = vector.broadcast %select_n3A_36 : i32 to vector<16xi32>
    %rem3A_38 = arith.remsi %add3A_32, %rem3A_37 : vector<16xi32>
    %ne3A_39 = arith.constant 0 : i32
    %ne3A_40 = vector.broadcast %ne3A_39 : i32 to vector<16xi32>
    %ne3A_41 = arith.cmpi ne, %rem3A_38, %ne3A_40 : vector<16xi32>
    %lt3A_42 = arith.constant 0 : i32
    %lt3A_43 = vector.broadcast %lt3A_42 : i32 to vector<16xi32>
    %lt3A_44 = arith.cmpi slt, %rem3A_38, %lt3A_43 : vector<16xi32>
    %lt3A_45 = arith.constant 0 : i32
    %lt3A_46 = arith.cmpi slt, %select_n3A_36, %lt3A_45 : i32
    %ne3A_47 = vector.broadcast %lt3A_46 : i1 to vector<16xi1>
    %ne3A_48 = vector.broadcast %ne3A_47 : vector<16xi1> to vector<16xi1>
    %ne3A_49 = arith.xori %lt3A_44, %ne3A_48 : vector<16xi1>
    %and3A_50 = arith.andi %ne3A_49, %ne3A_41 : vector<16xi1>
    %add3A_51 = vector.broadcast %select_n3A_36 : i32 to vector<16xi32>
    %add3A_52 = arith.addi %rem3A_38, %add3A_51 : vector<16xi32>
    %select_n3A_53 = arith.select %and3A_50, %add3A_52, %rem3A_38 : vector<16xi1>, vector<16xi32>
    %add3A_54 = arith.addi %mul3A_30, %select_n3A_53 : vector<16xi32>
    %select_n3A_55 = arith.select %lt3A_27, %add3A_54, %iota3A : vector<16xi1>, vector<16xi32>
    %mul3A_56 = arith.constant 3 : i32
    %mul3A_57 = vector.broadcast %mul3A_56 : i32 to vector<16xi32>
    %mul3A_58 = arith.muli %mul3A_57, %select_n3A : vector<16xi32>
    %add3A_59 = arith.constant 2 : i32
    %add3A_60 = vector.broadcast %add3A_59 : i32 to vector<16xi32>
    %add3A_61 = arith.addi %sub3A_25, %add3A_60 : vector<16xi32>
    %jit3A_62 = arith.constant 3 : i32
    %eq3A_63 = arith.constant 0 : i32
    %eq3A_64 = arith.cmpi eq, %jit3A_62, %eq3A_63 : i32
    %jit3A_65 = arith.constant 1 : i32
    %select_n3A_66 = arith.select %eq3A_64, %jit3A_65, %jit3A_62 : i32
    %rem3A_67 = vector.broadcast %select_n3A_66 : i32 to vector<16xi32>
    %rem3A_68 = arith.remsi %add3A_61, %rem3A_67 : vector<16xi32>
    %ne3A_69 = arith.constant 0 : i32
    %ne3A_70 = vector.broadcast %ne3A_69 : i32 to vector<16xi32>
    %ne3A_71 = arith.cmpi ne, %rem3A_68, %ne3A_70 : vector<16xi32>
    %lt3A_72 = arith.constant 0 : i32
    %lt3A_73 = vector.broadcast %lt3A_72 : i32 to vector<16xi32>
    %lt3A_74 = arith.cmpi slt, %rem3A_68, %lt3A_73 : vector<16xi32>
    %lt3A_75 = arith.constant 0 : i32
    %lt3A_76 = arith.cmpi slt, %select_n3A_66, %lt3A_75 : i32
    %ne3A_77 = vector.broadcast %lt3A_76 : i1 to vector<16xi1>
    %ne3A_78 = vector.broadcast %ne3A_77 : vector<16xi1> to vector<16xi1>
    %ne3A_79 = arith.xori %lt3A_74, %ne3A_78 : vector<16xi1>
    %and3A_80 = arith.andi %ne3A_79, %ne3A_71 : vector<16xi1>
    %add3A_81 = vector.broadcast %select_n3A_66 : i32 to vector<16xi32>
    %add3A_82 = arith.addi %rem3A_68, %add3A_81 : vector<16xi32>
    %select_n3A_83 = arith.select %and3A_80, %add3A_82, %rem3A_68 : vector<16xi1>, vector<16xi32>
    %add3A_84 = arith.addi %mul3A_58, %select_n3A_83 : vector<16xi32>
    %select_n3A_85 = arith.select %lt3A_27, %add3A_84, %iota3A : vector<16xi1>, vector<16xi32>
    %jit3A_86 = arith.constant 0 : i32
    %broadcast_in_dim3A = vector.broadcast %jit3A_86 : i32 to vector<16xi32>
    %select_n3A_87 = arith.select %lt3A_27, %iota3A, %broadcast_in_dim3A : vector<16xi1>, vector<16xi32>
    %jit3A_88 = arith.constant 0 : i32
    %broadcast_in_dim3A_89 = vector.broadcast %jit3A_88 : i32 to vector<16xi32>
    %select_n3A_90 = arith.select %lt3A_27, %select_n3A, %broadcast_in_dim3A_89 : vector<16xi1>, vector<16xi32>
    %scan3A = arith.constant 0 : i32
    %scan3A_91 = arith.constant 0 : i32
    %scan3A_92 = arith.constant 12 : i32
    %scan3A_93 = arith.addi %scan3A_91, %scan3A_92 : i32
    %scan3A_94 = arith.constant 1 : i32
    scf.for %scan3A_118 = %scan3A_91 to %scan3A_93 step %scan3A_94  : i32 {
      %jit3A_119 = arith.constant 4 : i32
      %div3A_120 = arith.divsi %scan3A_118, %jit3A_119 : i32
      %sign3A_121 = arith.constant 0 : i32
      %sign3A_122 = arith.cmpi sgt, %scan3A_118, %sign3A_121 : i32
      %sign3A_123 = arith.extui %sign3A_122 : i1 to i32
      %sign3A_124 = arith.constant 0 : i32
      %sign3A_125 = arith.cmpi slt, %scan3A_118, %sign3A_124 : i32
      %sign3A_126 = arith.extui %sign3A_125 : i1 to i32
      %sign3A_127 = arith.subi %sign3A_123, %sign3A_126 : i32
      %sign3A_128 = arith.constant 0 : i32
      %sign3A_129 = arith.cmpi sgt, %jit3A_119, %sign3A_128 : i32
      %sign3A_130 = arith.extui %sign3A_129 : i1 to i32
      %sign3A_131 = arith.constant 0 : i32
      %sign3A_132 = arith.cmpi slt, %jit3A_119, %sign3A_131 : i32
      %sign3A_133 = arith.extui %sign3A_132 : i1 to i32
      %sign3A_134 = arith.subi %sign3A_130, %sign3A_133 : i32
      %ne3A_135 = arith.cmpi ne, %sign3A_127, %sign3A_134 : i32
      %rem3A_136 = arith.remsi %scan3A_118, %jit3A_119 : i32
      %ne3A_137 = arith.constant 0 : i32
      %ne3A_138 = arith.cmpi ne, %rem3A_136, %ne3A_137 : i32
      %and3A_139 = arith.andi %ne3A_135, %ne3A_138 : i1
      %sub3A_140 = arith.constant 1 : i32
      %sub3A_141 = arith.subi %div3A_120, %sub3A_140 : i32
      %select_n3A_142 = arith.select %and3A_139, %sub3A_141, %div3A_120 : i32
      %mul3A_143 = arith.constant 4 : i32
      %mul3A_144 = arith.muli %mul3A_143, %select_n3A_142 : i32
      %sub3A_145 = arith.subi %scan3A_118, %mul3A_144 : i32
      %mul3A_146 = arith.constant 16 : i32
      %mul3A_147 = arith.muli %select_n3A_142, %mul3A_146 : i32
      %add3A_148 = arith.constant 208 : i32
      %add3A_149 = arith.addi %add3A_148, %mul3A_147 : i32
      %mul3A_150 = arith.constant 4 : i32
      %mul3A_151 = vector.broadcast %mul3A_150 : i32 to vector<16xi32>
      %mul3A_152 = arith.muli %select_n3A_90, %mul3A_151 : vector<16xi32>
      %add3A_153 = vector.broadcast %add3A_149 : i32 to vector<16xi32>
      %add3A_154 = arith.addi %add3A_153, %mul3A_152 : vector<16xi32>
      %add3A_155 = vector.broadcast %sub3A_145 : i32 to vector<16xi32>
      %add3A_156 = arith.addi %add3A_154, %add3A_155 : vector<16xi32>
      %gather3A = tpu.vector_load_idx %arg5[%add3A_156] : memref<4440xf32, #tpu.memory_space<vmem>>[vector<16xi32>], vector<16xf32>,
      %mul3A_157 = arith.constant 16 : i32
      %mul3A_158 = arith.muli %scan3A_118, %mul3A_157 : i32
      %swap3A_159 = arith.index_cast %mul3A_158 : i32 to index
      %swap3A_160 = tpu.vector_load %arg9[%swap3A_159] {strides = array<i32>} : memref<480xf32, #tpu.memory_space<vmem>>, vector<16xf32>,
      tpu.vector_store %arg9[%swap3A_159], %gather3A {strides = array<i32>} : memref<480xf32, #tpu.memory_space<vmem>>, vector<16xf32>,
      %mul3A_161 = arith.constant 16 : i32
      %mul3A_162 = arith.muli %select_n3A_142, %mul3A_161 : i32
      %add3A_163 = arith.constant 256 : i32
      %add3A_164 = arith.addi %add3A_163, %mul3A_162 : i32
      %mul3A_165 = arith.constant 4 : i32
      %mul3A_166 = vector.broadcast %mul3A_165 : i32 to vector<16xi32>
      %mul3A_167 = arith.muli %select_n3A_90, %mul3A_166 : vector<16xi32>
      %add3A_168 = vector.broadcast %add3A_164 : i32 to vector<16xi32>
      %add3A_169 = arith.addi %add3A_168, %mul3A_167 : vector<16xi32>
      %add3A_170 = vector.broadcast %sub3A_145 : i32 to vector<16xi32>
      %add3A_171 = arith.addi %add3A_169, %add3A_170 : vector<16xi32>
      %gather3A_172 = tpu.vector_load_idx %arg5[%add3A_171] : memref<4440xf32, #tpu.memory_space<vmem>>[vector<16xi32>], vector<16xf32>,
      %add3A_173 = arith.constant 12 : i32
      %add3A_174 = arith.addi %add3A_173, %scan3A_118 : i32
      %mul3A_175 = arith.constant 16 : i32
      %mul3A_176 = arith.muli %add3A_174, %mul3A_175 : i32
      %swap3A_177 = arith.index_cast %mul3A_176 : i32 to index
      %swap3A_178 = tpu.vector_load %arg9[%swap3A_177] {strides = array<i32>} : memref<480xf32, #tpu.memory_space<vmem>>, vector<16xf32>,
      tpu.vector_store %arg9[%swap3A_177], %gather3A_172 {strides = array<i32>} : memref<480xf32, #tpu.memory_space<vmem>>, vector<16xf32>,
    }
    %scan3A_95 = arith.constant 12 : i32
    %scan3A_96 = arith.constant 0 : i32
    %scan3A_97 = arith.constant 0 : i32
    %scan3A_98 = arith.constant 3 : i32
    %scan3A_99 = arith.addi %scan3A_97, %scan3A_98 : i32
    %scan3A_100 = arith.constant 1 : i32
    scf.for %scan3A_118 = %scan3A_97 to %scan3A_99 step %scan3A_100  : i32 {
      %mul3A_119 = arith.constant 4 : i32
      %mul3A_120 = arith.muli %scan3A_118, %mul3A_119 : i32
      %add3A_121 = arith.constant 304 : i32
      %add3A_122 = arith.addi %add3A_121, %mul3A_120 : i32
      %add3A_123 = vector.broadcast %add3A_122 : i32 to vector<16xi32>
      %add3A_124 = arith.addi %add3A_123, %select_n3A_90 : vector<16xi32>
      %gather3A = tpu.vector_load_idx %arg5[%add3A_124] : memref<4440xf32, #tpu.memory_space<vmem>>[vector<16xi32>], vector<16xf32>,
      %add3A_125 = arith.constant 24 : i32
      %add3A_126 = arith.addi %add3A_125, %scan3A_118 : i32
      %mul3A_127 = arith.constant 16 : i32
      %mul3A_128 = arith.muli %add3A_126, %mul3A_127 : i32
      %swap3A_129 = arith.index_cast %mul3A_128 : i32 to index
      %swap3A_130 = tpu.vector_load %arg9[%swap3A_129] {strides = array<i32>} : memref<480xf32, #tpu.memory_space<vmem>>, vector<16xf32>,
      tpu.vector_store %arg9[%swap3A_129], %gather3A {strides = array<i32>} : memref<480xf32, #tpu.memory_space<vmem>>, vector<16xf32>,
      %mul3A_131 = arith.constant 4 : i32
      %mul3A_132 = arith.muli %scan3A_118, %mul3A_131 : i32
      %add3A_133 = arith.constant 316 : i32
      %add3A_134 = arith.addi %add3A_133, %mul3A_132 : i32
      %add3A_135 = vector.broadcast %add3A_134 : i32 to vector<16xi32>
      %add3A_136 = arith.addi %add3A_135, %select_n3A_90 : vector<16xi32>
      %gather3A_137 = tpu.vector_load_idx %arg5[%add3A_136] : memref<4440xf32, #tpu.memory_space<vmem>>[vector<16xi32>], vector<16xf32>,
      %add3A_138 = arith.constant 27 : i32
      %add3A_139 = arith.addi %add3A_138, %scan3A_118 : i32
      %mul3A_140 = arith.constant 16 : i32
      %mul3A_141 = arith.muli %add3A_139, %mul3A_140 : i32
      %swap3A_142 = arith.index_cast %mul3A_141 : i32 to index
      %swap3A_143 = tpu.vector_load %arg9[%swap3A_142] {strides = array<i32>} : memref<480xf32, #tpu.memory_space<vmem>>, vector<16xf32>,
      tpu.vector_store %arg9[%swap3A_142], %gather3A_137 {strides = array<i32>} : memref<480xf32, #tpu.memory_space<vmem>>, vector<16xf32>,
    }
    %scan3A_101 = arith.constant 3 : i32
    %scan3A_102 = arith.constant 0 : i32
    %scan3A_103 = arith.constant 0 : i32
    %scan3A_104 = arith.constant 16 : i32
    %scan3A_105 = arith.addi %scan3A_103, %scan3A_104 : i32
    %scan3A_106 = arith.constant 1 : i32
    scf.for %scan3A_118 = %scan3A_103 to %scan3A_105 step %scan3A_106  : i32 {
      %mul3A_119 = arith.constant 256 : i32
      %mul3A_120 = arith.muli %scan3A_118, %mul3A_119 : i32
      %add3A_121 = arith.constant 344 : i32
      %add3A_122 = arith.addi %add3A_121, %mul3A_120 : i32
      %mul3A_123 = arith.constant 16 : i32
      %mul3A_124 = vector.broadcast %mul3A_123 : i32 to vector<16xi32>
      %mul3A_125 = arith.muli %iota3A, %mul3A_124 : vector<16xi32>
      %add3A_126 = vector.broadcast %add3A_122 : i32 to vector<16xi32>
      %add3A_127 = arith.addi %add3A_126, %mul3A_125 : vector<16xi32>
      %add3A_128 = arith.constant 0 : i32
      %add3A_129 = vector.broadcast %add3A_128 : i32 to vector<16xi32>
      %add3A_130 = arith.addi %add3A_127, %add3A_129 : vector<16xi32>
      %gather3A = tpu.vector_load_idx %arg5[%add3A_130] : memref<4440xf32, #tpu.memory_space<vmem>>[vector<16xi32>], vector<16xf32>,
      %mul3A_131 = arith.constant 256 : i32
      %mul3A_132 = arith.muli %scan3A_118, %mul3A_131 : i32
      %add3A_133 = arith.constant 344 : i32
      %add3A_134 = arith.addi %add3A_133, %mul3A_132 : i32
      %mul3A_135 = arith.constant 16 : i32
      %mul3A_136 = vector.broadcast %mul3A_135 : i32 to vector<16xi32>
      %mul3A_137 = arith.muli %iota3A, %mul3A_136 : vector<16xi32>
      %add3A_138 = vector.broadcast %add3A_134 : i32 to vector<16xi32>
      %add3A_139 = arith.addi %add3A_138, %mul3A_137 : vector<16xi32>
      %add3A_140 = arith.constant 1 : i32
      %add3A_141 = vector.broadcast %add3A_140 : i32 to vector<16xi32>
      %add3A_142 = arith.addi %add3A_139, %add3A_141 : vector<16xi32>
      %gather3A_143 = tpu.vector_load_idx %arg5[%add3A_142] : memref<4440xf32, #tpu.memory_space<vmem>>[vector<16xi32>], vector<16xf32>,
      %mul3A_144 = arith.constant 256 : i32
      %mul3A_145 = arith.muli %scan3A_118, %mul3A_144 : i32
      %add3A_146 = arith.constant 344 : i32
      %add3A_147 = arith.addi %add3A_146, %mul3A_145 : i32
      %mul3A_148 = arith.constant 16 : i32
      %mul3A_149 = vector.broadcast %mul3A_148 : i32 to vector<16xi32>
      %mul3A_150 = arith.muli %iota3A, %mul3A_149 : vector<16xi32>
      %add3A_151 = vector.broadcast %add3A_147 : i32 to vector<16xi32>
      %add3A_152 = arith.addi %add3A_151, %mul3A_150 : vector<16xi32>
      %add3A_153 = arith.constant 2 : i32
      %add3A_154 = vector.broadcast %add3A_153 : i32 to vector<16xi32>
      %add3A_155 = arith.addi %add3A_152, %add3A_154 : vector<16xi32>
      %gather3A_156 = tpu.vector_load_idx %arg5[%add3A_155] : memref<4440xf32, #tpu.memory_space<vmem>>[vector<16xi32>], vector<16xf32>,
      %mul3A_157 = arith.constant 256 : i32
      %mul3A_158 = arith.muli %scan3A_118, %mul3A_157 : i32
      %add3A_159 = arith.constant 344 : i32
      %add3A_160 = arith.addi %add3A_159, %mul3A_158 : i32
      %mul3A_161 = arith.constant 16 : i32
      %mul3A_162 = vector.broadcast %mul3A_161 : i32 to vector<16xi32>
      %mul3A_163 = arith.muli %iota3A, %mul3A_162 : vector<16xi32>
      %add3A_164 = vector.broadcast %add3A_160 : i32 to vector<16xi32>
      %add3A_165 = arith.addi %add3A_164, %mul3A_163 : vector<16xi32>
      %add3A_166 = arith.constant 3 : i32
      %add3A_167 = vector.broadcast %add3A_166 : i32 to vector<16xi32>
      %add3A_168 = arith.addi %add3A_165, %add3A_167 : vector<16xi32>
      %gather3A_169 = tpu.vector_load_idx %arg5[%add3A_168] : memref<4440xf32, #tpu.memory_space<vmem>>[vector<16xi32>], vector<16xf32>,
      %mul3A_170 = arith.constant 256 : i32
      %mul3A_171 = arith.muli %scan3A_118, %mul3A_170 : i32
      %add3A_172 = arith.constant 344 : i32
      %add3A_173 = arith.addi %add3A_172, %mul3A_171 : i32
      %mul3A_174 = arith.constant 16 : i32
      %mul3A_175 = vector.broadcast %mul3A_174 : i32 to vector<16xi32>
      %mul3A_176 = arith.muli %iota3A, %mul3A_175 : vector<16xi32>
      %add3A_177 = vector.broadcast %add3A_173 : i32 to vector<16xi32>
      %add3A_178 = arith.addi %add3A_177, %mul3A_176 : vector<16xi32>
      %add3A_179 = arith.constant 4 : i32
      %add3A_180 = vector.broadcast %add3A_179 : i32 to vector<16xi32>
      %add3A_181 = arith.addi %add3A_178, %add3A_180 : vector<16xi32>
      %gather3A_182 = tpu.vector_load_idx %arg5[%add3A_181] : memref<4440xf32, #tpu.memory_space<vmem>>[vector<16xi32>], vector<16xf32>,
      %mul3A_183 = arith.constant 256 : i32
      %mul3A_184 = arith.muli %scan3A_118, %mul3A_183 : i32
      %add3A_185 = arith.constant 344 : i32
      %add3A_186 = arith.addi %add3A_185, %mul3A_184 : i32
      %mul3A_187 = arith.constant 16 : i32
      %mul3A_188 = vector.broadcast %mul3A_187 : i32 to vector<16xi32>
      %mul3A_189 = arith.muli %iota3A, %mul3A_188 : vector<16xi32>
      %add3A_190 = vector.broadcast %add3A_186 : i32 to vector<16xi32>
      %add3A_191 = arith.addi %add3A_190, %mul3A_189 : vector<16xi32>
      %add3A_192 = arith.constant 5 : i32
      %add3A_193 = vector.broadcast %add3A_192 : i32 to vector<16xi32>
      %add3A_194 = arith.addi %add3A_191, %add3A_193 : vector<16xi32>
      %gather3A_195 = tpu.vector_load_idx %arg5[%add3A_194] : memref<4440xf32, #tpu.memory_space<vmem>>[vector<16xi32>], vector<16xf32>,
      %mul3A_196 = arith.constant 256 : i32
      %mul3A_197 = arith.muli %scan3A_118, %mul3A_196 : i32
      %add3A_198 = arith.constant 344 : i32
      %add3A_199 = arith.addi %add3A_198, %mul3A_197 : i32
      %mul3A_200 = arith.constant 16 : i32
      %mul3A_201 = vector.broadcast %mul3A_200 : i32 to vector<16xi32>
      %mul3A_202 = arith.muli %iota3A, %mul3A_201 : vector<16xi32>
      %add3A_203 = vector.broadcast %add3A_199 : i32 to vector<16xi32>
      %add3A_204 = arith.addi %add3A_203, %mul3A_202 : vector<16xi32>
      %add3A_205 = arith.constant 6 : i32
      %add3A_206 = vector.broadcast %add3A_205 : i32 to vector<16xi32>
      %add3A_207 = arith.addi %add3A_204, %add3A_206 : vector<16xi32>
      %gather3A_208 = tpu.vector_load_idx %arg5[%add3A_207] : memref<4440xf32, #tpu.memory_space<vmem>>[vector<16xi32>], vector<16xf32>,
      %mul3A_209 = arith.constant 256 : i32
      %mul3A_210 = arith.muli %scan3A_118, %mul3A_209 : i32
      %add3A_211 = arith.constant 344 : i32
      %add3A_212 = arith.addi %add3A_211, %mul3A_210 : i32
      %mul3A_213 = arith.constant 16 : i32
      %mul3A_214 = vector.broadcast %mul3A_213 : i32 to vector<16xi32>
      %mul3A_215 = arith.muli %iota3A, %mul3A_214 : vector<16xi32>
      %add3A_216 = vector.broadcast %add3A_212 : i32 to vector<16xi32>
      %add3A_217 = arith.addi %add3A_216, %mul3A_215 : vector<16xi32>
      %add3A_218 = arith.constant 7 : i32
      %add3A_219 = vector.broadcast %add3A_218 : i32 to vector<16xi32>
      %add3A_220 = arith.addi %add3A_217, %add3A_219 : vector<16xi32>
      %gather3A_221 = tpu.vector_load_idx %arg5[%add3A_220] : memref<4440xf32, #tpu.memory_space<vmem>>[vector<16xi32>], vector<16xf32>,
      %mul3A_222 = arith.constant 256 : i32
      %mul3A_223 = arith.muli %scan3A_118, %mul3A_222 : i32
      %add3A_224 = arith.constant 344 : i32
      %add3A_225 = arith.addi %add3A_224, %mul3A_223 : i32
      %mul3A_226 = arith.constant 16 : i32
      %mul3A_227 = vector.broadcast %mul3A_226 : i32 to vector<16xi32>
      %mul3A_228 = arith.muli %iota3A, %mul3A_227 : vector<16xi32>
      %add3A_229 = vector.broadcast %add3A_225 : i32 to vector<16xi32>
      %add3A_230 = arith.addi %add3A_229, %mul3A_228 : vector<16xi32>
      %add3A_231 = arith.constant 8 : i32
      %add3A_232 = vector.broadcast %add3A_231 : i32 to vector<16xi32>
      %add3A_233 = arith.addi %add3A_230, %add3A_232 : vector<16xi32>
      %gather3A_234 = tpu.vector_load_idx %arg5[%add3A_233] : memref<4440xf32, #tpu.memory_space<vmem>>[vector<16xi32>], vector<16xf32>,
      %mul3A_235 = arith.constant 256 : i32
      %mul3A_236 = arith.muli %scan3A_118, %mul3A_235 : i32
      %add3A_237 = arith.constant 344 : i32
      %add3A_238 = arith.addi %add3A_237, %mul3A_236 : i32
      %mul3A_239 = arith.constant 16 : i32
      %mul3A_240 = vector.broadcast %mul3A_239 : i32 to vector<16xi32>
      %mul3A_241 = arith.muli %iota3A, %mul3A_240 : vector<16xi32>
      %add3A_242 = vector.broadcast %add3A_238 : i32 to vector<16xi32>
      %add3A_243 = arith.addi %add3A_242, %mul3A_241 : vector<16xi32>
      %add3A_244 = arith.constant 9 : i32
      %add3A_245 = vector.broadcast %add3A_244 : i32 to vector<16xi32>
      %add3A_246 = arith.addi %add3A_243, %add3A_245 : vector<16xi32>
      %gather3A_247 = tpu.vector_load_idx %arg5[%add3A_246] : memref<4440xf32, #tpu.memory_space<vmem>>[vector<16xi32>], vector<16xf32>,
      %mul3A_248 = arith.constant 256 : i32
      %mul3A_249 = arith.muli %scan3A_118, %mul3A_248 : i32
      %add3A_250 = arith.constant 344 : i32
      %add3A_251 = arith.addi %add3A_250, %mul3A_249 : i32
      %mul3A_252 = arith.constant 16 : i32
      %mul3A_253 = vector.broadcast %mul3A_252 : i32 to vector<16xi32>
      %mul3A_254 = arith.muli %iota3A, %mul3A_253 : vector<16xi32>
      %add3A_255 = vector.broadcast %add3A_251 : i32 to vector<16xi32>
      %add3A_256 = arith.addi %add3A_255, %mul3A_254 : vector<16xi32>
      %add3A_257 = arith.constant 10 : i32
      %add3A_258 = vector.broadcast %add3A_257 : i32 to vector<16xi32>
      %add3A_259 = arith.addi %add3A_256, %add3A_258 : vector<16xi32>
      %gather3A_260 = tpu.vector_load_idx %arg5[%add3A_259] : memref<4440xf32, #tpu.memory_space<vmem>>[vector<16xi32>], vector<16xf32>,
      %mul3A_261 = arith.constant 256 : i32
      %mul3A_262 = arith.muli %scan3A_118, %mul3A_261 : i32
      %add3A_263 = arith.constant 344 : i32
      %add3A_264 = arith.addi %add3A_263, %mul3A_262 : i32
      %mul3A_265 = arith.constant 16 : i32
      %mul3A_266 = vector.broadcast %mul3A_265 : i32 to vector<16xi32>
      %mul3A_267 = arith.muli %iota3A, %mul3A_266 : vector<16xi32>
      %add3A_268 = vector.broadcast %add3A_264 : i32 to vector<16xi32>
      %add3A_269 = arith.addi %add3A_268, %mul3A_267 : vector<16xi32>
      %add3A_270 = arith.constant 11 : i32
      %add3A_271 = vector.broadcast %add3A_270 : i32 to vector<16xi32>
      %add3A_272 = arith.addi %add3A_269, %add3A_271 : vector<16xi32>
      %gather3A_273 = tpu.vector_load_idx %arg5[%add3A_272] : memref<4440xf32, #tpu.memory_space<vmem>>[vector<16xi32>], vector<16xf32>,
      %mul3A_274 = arith.constant 256 : i32
      %mul3A_275 = arith.muli %scan3A_118, %mul3A_274 : i32
      %add3A_276 = arith.constant 344 : i32
      %add3A_277 = arith.addi %add3A_276, %mul3A_275 : i32
      %mul3A_278 = arith.constant 16 : i32
      %mul3A_279 = vector.broadcast %mul3A_278 : i32 to vector<16xi32>
      %mul3A_280 = arith.muli %iota3A, %mul3A_279 : vector<16xi32>
      %add3A_281 = vector.broadcast %add3A_277 : i32 to vector<16xi32>
      %add3A_282 = arith.addi %add3A_281, %mul3A_280 : vector<16xi32>
      %add3A_283 = arith.constant 12 : i32
      %add3A_284 = vector.broadcast %add3A_283 : i32 to vector<16xi32>
      %add3A_285 = arith.addi %add3A_282, %add3A_284 : vector<16xi32>
      %gather3A_286 = tpu.vector_load_idx %arg5[%add3A_285] : memref<4440xf32, #tpu.memory_space<vmem>>[vector<16xi32>], vector<16xf32>,
      %mul3A_287 = arith.constant 256 : i32
      %mul3A_288 = arith.muli %scan3A_118, %mul3A_287 : i32
      %add3A_289 = arith.constant 344 : i32
      %add3A_290 = arith.addi %add3A_289, %mul3A_288 : i32
      %mul3A_291 = arith.constant 16 : i32
      %mul3A_292 = vector.broadcast %mul3A_291 : i32 to vector<16xi32>
      %mul3A_293 = arith.muli %iota3A, %mul3A_292 : vector<16xi32>
      %add3A_294 = vector.broadcast %add3A_290 : i32 to vector<16xi32>
      %add3A_295 = arith.addi %add3A_294, %mul3A_293 : vector<16xi32>
      %add3A_296 = arith.constant 13 : i32
      %add3A_297 = vector.broadcast %add3A_296 : i32 to vector<16xi32>
      %add3A_298 = arith.addi %add3A_295, %add3A_297 : vector<16xi32>
      %gather3A_299 = tpu.vector_load_idx %arg5[%add3A_298] : memref<4440xf32, #tpu.memory_space<vmem>>[vector<16xi32>], vector<16xf32>,
      %mul3A_300 = arith.constant 256 : i32
      %mul3A_301 = arith.muli %scan3A_118, %mul3A_300 : i32
      %add3A_302 = arith.constant 344 : i32
      %add3A_303 = arith.addi %add3A_302, %mul3A_301 : i32
      %mul3A_304 = arith.constant 16 : i32
      %mul3A_305 = vector.broadcast %mul3A_304 : i32 to vector<16xi32>
      %mul3A_306 = arith.muli %iota3A, %mul3A_305 : vector<16xi32>
      %add3A_307 = vector.broadcast %add3A_303 : i32 to vector<16xi32>
      %add3A_308 = arith.addi %add3A_307, %mul3A_306 : vector<16xi32>
      %add3A_309 = arith.constant 14 : i32
      %add3A_310 = vector.broadcast %add3A_309 : i32 to vector<16xi32>
      %add3A_311 = arith.addi %add3A_308, %add3A_310 : vector<16xi32>
      %gather3A_312 = tpu.vector_load_idx %arg5[%add3A_311] : memref<4440xf32, #tpu.memory_space<vmem>>[vector<16xi32>], vector<16xf32>,
      %mul3A_313 = arith.constant 256 : i32
      %mul3A_314 = arith.muli %scan3A_118, %mul3A_313 : i32
      %add3A_315 = arith.constant 344 : i32
      %add3A_316 = arith.addi %add3A_315, %mul3A_314 : i32
      %mul3A_317 = arith.constant 16 : i32
      %mul3A_318 = vector.broadcast %mul3A_317 : i32 to vector<16xi32>
      %mul3A_319 = arith.muli %iota3A, %mul3A_318 : vector<16xi32>
      %add3A_320 = vector.broadcast %add3A_316 : i32 to vector<16xi32>
      %add3A_321 = arith.addi %add3A_320, %mul3A_319 : vector<16xi32>
      %add3A_322 = arith.constant 15 : i32
      %add3A_323 = vector.broadcast %add3A_322 : i32 to vector<16xi32>
      %add3A_324 = arith.addi %add3A_321, %add3A_323 : vector<16xi32>
      %gather3A_325 = tpu.vector_load_idx %arg5[%add3A_324] : memref<4440xf32, #tpu.memory_space<vmem>>[vector<16xi32>], vector<16xf32>,
      %mul3A_326 = arith.constant 16 : i32
      %mul3A_327 = arith.muli %scan3A_118, %mul3A_326 : i32
      %add3A_328 = arith.constant 0 : i32
      %add3A_329 = arith.addi %add3A_328, %mul3A_327 : i32
      %get3A_330 = arith.index_cast %add3A_329 : i32 to index
      %get3A_331 = tpu.vector_load %arg6[%get3A_330] {strides = array<i32>} : memref<6144xf32, #tpu.memory_space<vmem>>, vector<16xf32>,
      %mul3A_332 = arith.constant 16 : i32
      %mul3A_333 = arith.muli %scan3A_118, %mul3A_332 : i32
      %add3A_334 = arith.constant 256 : i32
      %add3A_335 = arith.addi %add3A_334, %mul3A_333 : i32
      %get3A_336 = arith.index_cast %add3A_335 : i32 to index
      %get3A_337 = tpu.vector_load %arg6[%get3A_336] {strides = array<i32>} : memref<6144xf32, #tpu.memory_space<vmem>>, vector<16xf32>,
      %mul3A_338 = arith.constant 16 : i32
      %mul3A_339 = arith.muli %scan3A_118, %mul3A_338 : i32
      %add3A_340 = arith.constant 512 : i32
      %add3A_341 = arith.addi %add3A_340, %mul3A_339 : i32
      %get3A_342 = arith.index_cast %add3A_341 : i32 to index
      %get3A_343 = tpu.vector_load %arg6[%get3A_342] {strides = array<i32>} : memref<6144xf32, #tpu.memory_space<vmem>>, vector<16xf32>,
      %mul3A_344 = arith.constant 16 : i32
      %mul3A_345 = arith.muli %scan3A_118, %mul3A_344 : i32
      %add3A_346 = arith.constant 768 : i32
      %add3A_347 = arith.addi %add3A_346, %mul3A_345 : i32
      %get3A_348 = arith.index_cast %add3A_347 : i32 to index
      %get3A_349 = tpu.vector_load %arg6[%get3A_348] {strides = array<i32>} : memref<6144xf32, #tpu.memory_space<vmem>>, vector<16xf32>,
      %mul3A_350 = arith.constant 16 : i32
      %mul3A_351 = arith.muli %scan3A_118, %mul3A_350 : i32
      %add3A_352 = arith.constant 1024 : i32
      %add3A_353 = arith.addi %add3A_352, %mul3A_351 : i32
      %get3A_354 = arith.index_cast %add3A_353 : i32 to index
      %get3A_355 = tpu.vector_load %arg6[%get3A_354] {strides = array<i32>} : memref<6144xf32, #tpu.memory_space<vmem>>, vector<16xf32>,
      %mul3A_356 = arith.constant 16 : i32
      %mul3A_357 = arith.muli %scan3A_118, %mul3A_356 : i32
      %add3A_358 = arith.constant 1280 : i32
      %add3A_359 = arith.addi %add3A_358, %mul3A_357 : i32
      %get3A_360 = arith.index_cast %add3A_359 : i32 to index
      %get3A_361 = tpu.vector_load %arg6[%get3A_360] {strides = array<i32>} : memref<6144xf32, #tpu.memory_space<vmem>>, vector<16xf32>,
      %mul3A_362 = arith.constant 16 : i32
      %mul3A_363 = arith.muli %scan3A_118, %mul3A_362 : i32
      %add3A_364 = arith.constant 1536 : i32
      %add3A_365 = arith.addi %add3A_364, %mul3A_363 : i32
      %get3A_366 = arith.index_cast %add3A_365 : i32 to index
      %get3A_367 = tpu.vector_load %arg6[%get3A_366] {strides = array<i32>} : memref<6144xf32, #tpu.memory_space<vmem>>, vector<16xf32>,
      %mul3A_368 = arith.constant 16 : i32
      %mul3A_369 = arith.muli %scan3A_118, %mul3A_368 : i32
      %add3A_370 = arith.constant 1792 : i32
      %add3A_371 = arith.addi %add3A_370, %mul3A_369 : i32
      %get3A_372 = arith.index_cast %add3A_371 : i32 to index
      %get3A_373 = tpu.vector_load %arg6[%get3A_372] {strides = array<i32>} : memref<6144xf32, #tpu.memory_space<vmem>>, vector<16xf32>,
      %mul3A_374 = arith.constant 16 : i32
      %mul3A_375 = arith.muli %scan3A_118, %mul3A_374 : i32
      %add3A_376 = arith.constant 2048 : i32
      %add3A_377 = arith.addi %add3A_376, %mul3A_375 : i32
      %get3A_378 = arith.index_cast %add3A_377 : i32 to index
      %get3A_379 = tpu.vector_load %arg6[%get3A_378] {strides = array<i32>} : memref<6144xf32, #tpu.memory_space<vmem>>, vector<16xf32>,
      %mul3A_380 = arith.constant 16 : i32
      %mul3A_381 = arith.muli %scan3A_118, %mul3A_380 : i32
      %add3A_382 = arith.constant 2304 : i32
      %add3A_383 = arith.addi %add3A_382, %mul3A_381 : i32
      %get3A_384 = arith.index_cast %add3A_383 : i32 to index
      %get3A_385 = tpu.vector_load %arg6[%get3A_384] {strides = array<i32>} : memref<6144xf32, #tpu.memory_space<vmem>>, vector<16xf32>,
      %mul3A_386 = arith.constant 16 : i32
      %mul3A_387 = arith.muli %scan3A_118, %mul3A_386 : i32
      %add3A_388 = arith.constant 2560 : i32
      %add3A_389 = arith.addi %add3A_388, %mul3A_387 : i32
      %get3A_390 = arith.index_cast %add3A_389 : i32 to index
      %get3A_391 = tpu.vector_load %arg6[%get3A_390] {strides = array<i32>} : memref<6144xf32, #tpu.memory_space<vmem>>, vector<16xf32>,
      %mul3A_392 = arith.constant 16 : i32
      %mul3A_393 = arith.muli %scan3A_118, %mul3A_392 : i32
      %add3A_394 = arith.constant 2816 : i32
      %add3A_395 = arith.addi %add3A_394, %mul3A_393 : i32
      %get3A_396 = arith.index_cast %add3A_395 : i32 to index
      %get3A_397 = tpu.vector_load %arg6[%get3A_396] {strides = array<i32>} : memref<6144xf32, #tpu.memory_space<vmem>>, vector<16xf32>,
      %mul3A_398 = arith.mulf %get3A_331, %gather3A : vector<16xf32>
      %mul3A_399 = arith.mulf %get3A_349, %gather3A_182 : vector<16xf32>
      %add3A_400 = arith.addf %mul3A_398, %mul3A_399 : vector<16xf32>
      %mul3A_401 = arith.mulf %get3A_367, %gather3A_234 : vector<16xf32>
      %add3A_402 = arith.addf %add3A_400, %mul3A_401 : vector<16xf32>
      %mul3A_403 = arith.mulf %get3A_385, %gather3A_286 : vector<16xf32>
      %add3A_404 = arith.addf %add3A_402, %mul3A_403 : vector<16xf32>
      %mul3A_405 = arith.constant 16 : i32
      %mul3A_406 = arith.muli %scan3A_118, %mul3A_405 : i32
      %add3A_407 = arith.constant 0 : i32
      %add3A_408 = arith.addi %add3A_407, %mul3A_406 : i32
      %swap3A_409 = arith.index_cast %add3A_408 : i32 to index
      %swap3A_410 = tpu.vector_load %arg7[%swap3A_409] {strides = array<i32>} : memref<3072xf32, #tpu.memory_space<vmem>>, vector<16xf32>,
      tpu.vector_store %arg7[%swap3A_409], %add3A_404 {strides = array<i32>} : memref<3072xf32, #tpu.memory_space<vmem>>, vector<16xf32>,
      %mul3A_411 = arith.mulf %get3A_337, %gather3A : vector<16xf32>
      %mul3A_412 = arith.mulf %get3A_355, %gather3A_182 : vector<16xf32>
      %add3A_413 = arith.addf %mul3A_411, %mul3A_412 : vector<16xf32>
      %mul3A_414 = arith.mulf %get3A_373, %gather3A_234 : vector<16xf32>
      %add3A_415 = arith.addf %add3A_413, %mul3A_414 : vector<16xf32>
      %mul3A_416 = arith.mulf %get3A_391, %gather3A_286 : vector<16xf32>
      %add3A_417 = arith.addf %add3A_415, %mul3A_416 : vector<16xf32>
      %mul3A_418 = arith.constant 16 : i32
      %mul3A_419 = arith.muli %scan3A_118, %mul3A_418 : i32
      %add3A_420 = arith.constant 256 : i32
      %add3A_421 = arith.addi %add3A_420, %mul3A_419 : i32
      %swap3A_422 = arith.index_cast %add3A_421 : i32 to index
      %swap3A_423 = tpu.vector_load %arg7[%swap3A_422] {strides = array<i32>} : memref<3072xf32, #tpu.memory_space<vmem>>, vector<16xf32>,
      tpu.vector_store %arg7[%swap3A_422], %add3A_417 {strides = array<i32>} : memref<3072xf32, #tpu.memory_space<vmem>>, vector<16xf32>,
      %mul3A_424 = arith.mulf %get3A_343, %gather3A : vector<16xf32>
      %mul3A_425 = arith.mulf %get3A_361, %gather3A_182 : vector<16xf32>
      %add3A_426 = arith.addf %mul3A_424, %mul3A_425 : vector<16xf32>
      %mul3A_427 = arith.mulf %get3A_379, %gather3A_234 : vector<16xf32>
      %add3A_428 = arith.addf %add3A_426, %mul3A_427 : vector<16xf32>
      %mul3A_429 = arith.mulf %get3A_397, %gather3A_286 : vector<16xf32>
      %add3A_430 = arith.addf %add3A_428, %mul3A_429 : vector<16xf32>
      %mul3A_431 = arith.constant 16 : i32
      %mul3A_432 = arith.muli %scan3A_118, %mul3A_431 : i32
      %add3A_433 = arith.constant 512 : i32
      %add3A_434 = arith.addi %add3A_433, %mul3A_432 : i32
      %swap3A_435 = arith.index_cast %add3A_434 : i32 to index
      %swap3A_436 = tpu.vector_load %arg7[%swap3A_435] {strides = array<i32>} : memref<3072xf32, #tpu.memory_space<vmem>>, vector<16xf32>,
      tpu.vector_store %arg7[%swap3A_435], %add3A_430 {strides = array<i32>} : memref<3072xf32, #tpu.memory_space<vmem>>, vector<16xf32>,
      %mul3A_437 = arith.mulf %get3A_331, %gather3A_143 : vector<16xf32>
      %mul3A_438 = arith.mulf %get3A_349, %gather3A_195 : vector<16xf32>
      %add3A_439 = arith.addf %mul3A_437, %mul3A_438 : vector<16xf32>
      %mul3A_440 = arith.mulf %get3A_367, %gather3A_247 : vector<16xf32>
      %add3A_441 = arith.addf %add3A_439, %mul3A_440 : vector<16xf32>
      %mul3A_442 = arith.mulf %get3A_385, %gather3A_299 : vector<16xf32>
      %add3A_443 = arith.addf %add3A_441, %mul3A_442 : vector<16xf32>
      %mul3A_444 = arith.constant 16 : i32
      %mul3A_445 = arith.muli %scan3A_118, %mul3A_444 : i32
      %add3A_446 = arith.constant 768 : i32
      %add3A_447 = arith.addi %add3A_446, %mul3A_445 : i32
      %swap3A_448 = arith.index_cast %add3A_447 : i32 to index
      %swap3A_449 = tpu.vector_load %arg7[%swap3A_448] {strides = array<i32>} : memref<3072xf32, #tpu.memory_space<vmem>>, vector<16xf32>,
      tpu.vector_store %arg7[%swap3A_448], %add3A_443 {strides = array<i32>} : memref<3072xf32, #tpu.memory_space<vmem>>, vector<16xf32>,
      %mul3A_450 = arith.mulf %get3A_337, %gather3A_143 : vector<16xf32>
      %mul3A_451 = arith.mulf %get3A_355, %gather3A_195 : vector<16xf32>
      %add3A_452 = arith.addf %mul3A_450, %mul3A_451 : vector<16xf32>
      %mul3A_453 = arith.mulf %get3A_373, %gather3A_247 : vector<16xf32>
      %add3A_454 = arith.addf %add3A_452, %mul3A_453 : vector<16xf32>
      %mul3A_455 = arith.mulf %get3A_391, %gather3A_299 : vector<16xf32>
      %add3A_456 = arith.addf %add3A_454, %mul3A_455 : vector<16xf32>
      %mul3A_457 = arith.constant 16 : i32
      %mul3A_458 = arith.muli %scan3A_118, %mul3A_457 : i32
      %add3A_459 = arith.constant 1024 : i32
      %add3A_460 = arith.addi %add3A_459, %mul3A_458 : i32
      %swap3A_461 = arith.index_cast %add3A_460 : i32 to index
      %swap3A_462 = tpu.vector_load %arg7[%swap3A_461] {strides = array<i32>} : memref<3072xf32, #tpu.memory_space<vmem>>, vector<16xf32>,
      tpu.vector_store %arg7[%swap3A_461], %add3A_456 {strides = array<i32>} : memref<3072xf32, #tpu.memory_space<vmem>>, vector<16xf32>,
      %mul3A_463 = arith.mulf %get3A_343, %gather3A_143 : vector<16xf32>
      %mul3A_464 = arith.mulf %get3A_361, %gather3A_195 : vector<16xf32>
      %add3A_465 = arith.addf %mul3A_463, %mul3A_464 : vector<16xf32>
      %mul3A_466 = arith.mulf %get3A_379, %gather3A_247 : vector<16xf32>
      %add3A_467 = arith.addf %add3A_465, %mul3A_466 : vector<16xf32>
      %mul3A_468 = arith.mulf %get3A_397, %gather3A_299 : vector<16xf32>
      %add3A_469 = arith.addf %add3A_467, %mul3A_468 : vector<16xf32>
      %mul3A_470 = arith.constant 16 : i32
      %mul3A_471 = arith.muli %scan3A_118, %mul3A_470 : i32
      %add3A_472 = arith.constant 1280 : i32
      %add3A_473 = arith.addi %add3A_472, %mul3A_471 : i32
      %swap3A_474 = arith.index_cast %add3A_473 : i32 to index
      %swap3A_475 = tpu.vector_load %arg7[%swap3A_474] {strides = array<i32>} : memref<3072xf32, #tpu.memory_space<vmem>>, vector<16xf32>,
      tpu.vector_store %arg7[%swap3A_474], %add3A_469 {strides = array<i32>} : memref<3072xf32, #tpu.memory_space<vmem>>, vector<16xf32>,
      %mul3A_476 = arith.mulf %get3A_331, %gather3A_156 : vector<16xf32>
      %mul3A_477 = arith.mulf %get3A_349, %gather3A_208 : vector<16xf32>
      %add3A_478 = arith.addf %mul3A_476, %mul3A_477 : vector<16xf32>
      %mul3A_479 = arith.mulf %get3A_367, %gather3A_260 : vector<16xf32>
      %add3A_480 = arith.addf %add3A_478, %mul3A_479 : vector<16xf32>
      %mul3A_481 = arith.mulf %get3A_385, %gather3A_312 : vector<16xf32>
      %add3A_482 = arith.addf %add3A_480, %mul3A_481 : vector<16xf32>
      %mul3A_483 = arith.constant 16 : i32
      %mul3A_484 = arith.muli %scan3A_118, %mul3A_483 : i32
      %add3A_485 = arith.constant 1536 : i32
      %add3A_486 = arith.addi %add3A_485, %mul3A_484 : i32
      %swap3A_487 = arith.index_cast %add3A_486 : i32 to index
      %swap3A_488 = tpu.vector_load %arg7[%swap3A_487] {strides = array<i32>} : memref<3072xf32, #tpu.memory_space<vmem>>, vector<16xf32>,
      tpu.vector_store %arg7[%swap3A_487], %add3A_482 {strides = array<i32>} : memref<3072xf32, #tpu.memory_space<vmem>>, vector<16xf32>,
      %mul3A_489 = arith.mulf %get3A_337, %gather3A_156 : vector<16xf32>
      %mul3A_490 = arith.mulf %get3A_355, %gather3A_208 : vector<16xf32>
      %add3A_491 = arith.addf %mul3A_489, %mul3A_490 : vector<16xf32>
      %mul3A_492 = arith.mulf %get3A_373, %gather3A_260 : vector<16xf32>
      %add3A_493 = arith.addf %add3A_491, %mul3A_492 : vector<16xf32>
      %mul3A_494 = arith.mulf %get3A_391, %gather3A_312 : vector<16xf32>
      %add3A_495 = arith.addf %add3A_493, %mul3A_494 : vector<16xf32>
      %mul3A_496 = arith.constant 16 : i32
      %mul3A_497 = arith.muli %scan3A_118, %mul3A_496 : i32
      %add3A_498 = arith.constant 1792 : i32
      %add3A_499 = arith.addi %add3A_498, %mul3A_497 : i32
      %swap3A_500 = arith.index_cast %add3A_499 : i32 to index
      %swap3A_501 = tpu.vector_load %arg7[%swap3A_500] {strides = array<i32>} : memref<3072xf32, #tpu.memory_space<vmem>>, vector<16xf32>,
      tpu.vector_store %arg7[%swap3A_500], %add3A_495 {strides = array<i32>} : memref<3072xf32, #tpu.memory_space<vmem>>, vector<16xf32>,
      %mul3A_502 = arith.mulf %get3A_343, %gather3A_156 : vector<16xf32>
      %mul3A_503 = arith.mulf %get3A_361, %gather3A_208 : vector<16xf32>
      %add3A_504 = arith.addf %mul3A_502, %mul3A_503 : vector<16xf32>
      %mul3A_505 = arith.mulf %get3A_379, %gather3A_260 : vector<16xf32>
      %add3A_506 = arith.addf %add3A_504, %mul3A_505 : vector<16xf32>
      %mul3A_507 = arith.mulf %get3A_397, %gather3A_312 : vector<16xf32>
      %add3A_508 = arith.addf %add3A_506, %mul3A_507 : vector<16xf32>
      %mul3A_509 = arith.constant 16 : i32
      %mul3A_510 = arith.muli %scan3A_118, %mul3A_509 : i32
      %add3A_511 = arith.constant 2048 : i32
      %add3A_512 = arith.addi %add3A_511, %mul3A_510 : i32
      %swap3A_513 = arith.index_cast %add3A_512 : i32 to index
      %swap3A_514 = tpu.vector_load %arg7[%swap3A_513] {strides = array<i32>} : memref<3072xf32, #tpu.memory_space<vmem>>, vector<16xf32>,
      tpu.vector_store %arg7[%swap3A_513], %add3A_508 {strides = array<i32>} : memref<3072xf32, #tpu.memory_space<vmem>>, vector<16xf32>,
      %mul3A_515 = arith.mulf %get3A_331, %gather3A_169 : vector<16xf32>
      %mul3A_516 = arith.mulf %get3A_349, %gather3A_221 : vector<16xf32>
      %add3A_517 = arith.addf %mul3A_515, %mul3A_516 : vector<16xf32>
      %mul3A_518 = arith.mulf %get3A_367, %gather3A_273 : vector<16xf32>
      %add3A_519 = arith.addf %add3A_517, %mul3A_518 : vector<16xf32>
      %mul3A_520 = arith.mulf %get3A_385, %gather3A_325 : vector<16xf32>
      %add3A_521 = arith.addf %add3A_519, %mul3A_520 : vector<16xf32>
      %mul3A_522 = arith.constant 16 : i32
      %mul3A_523 = arith.muli %scan3A_118, %mul3A_522 : i32
      %add3A_524 = arith.constant 2304 : i32
      %add3A_525 = arith.addi %add3A_524, %mul3A_523 : i32
      %swap3A_526 = arith.index_cast %add3A_525 : i32 to index
      %swap3A_527 = tpu.vector_load %arg7[%swap3A_526] {strides = array<i32>} : memref<3072xf32, #tpu.memory_space<vmem>>, vector<16xf32>,
      tpu.vector_store %arg7[%swap3A_526], %add3A_521 {strides = array<i32>} : memref<3072xf32, #tpu.memory_space<vmem>>, vector<16xf32>,
      %mul3A_528 = arith.mulf %get3A_337, %gather3A_169 : vector<16xf32>
      %mul3A_529 = arith.mulf %get3A_355, %gather3A_221 : vector<16xf32>
      %add3A_530 = arith.addf %mul3A_528, %mul3A_529 : vector<16xf32>
      %mul3A_531 = arith.mulf %get3A_373, %gather3A_273 : vector<16xf32>
      %add3A_532 = arith.addf %add3A_530, %mul3A_531 : vector<16xf32>
      %mul3A_533 = arith.mulf %get3A_391, %gather3A_325 : vector<16xf32>
      %add3A_534 = arith.addf %add3A_532, %mul3A_533 : vector<16xf32>
      %mul3A_535 = arith.constant 16 : i32
      %mul3A_536 = arith.muli %scan3A_118, %mul3A_535 : i32
      %add3A_537 = arith.constant 2560 : i32
      %add3A_538 = arith.addi %add3A_537, %mul3A_536 : i32
      %swap3A_539 = arith.index_cast %add3A_538 : i32 to index
      %swap3A_540 = tpu.vector_load %arg7[%swap3A_539] {strides = array<i32>} : memref<3072xf32, #tpu.memory_space<vmem>>, vector<16xf32>,
      tpu.vector_store %arg7[%swap3A_539], %add3A_534 {strides = array<i32>} : memref<3072xf32, #tpu.memory_space<vmem>>, vector<16xf32>,
      %mul3A_541 = arith.mulf %get3A_343, %gather3A_169 : vector<16xf32>
      %mul3A_542 = arith.mulf %get3A_361, %gather3A_221 : vector<16xf32>
      %add3A_543 = arith.addf %mul3A_541, %mul3A_542 : vector<16xf32>
      %mul3A_544 = arith.mulf %get3A_379, %gather3A_273 : vector<16xf32>
      %add3A_545 = arith.addf %add3A_543, %mul3A_544 : vector<16xf32>
      %mul3A_546 = arith.mulf %get3A_397, %gather3A_325 : vector<16xf32>
      %add3A_547 = arith.addf %add3A_545, %mul3A_546 : vector<16xf32>
      %mul3A_548 = arith.constant 16 : i32
      %mul3A_549 = arith.muli %scan3A_118, %mul3A_548 : i32
      %add3A_550 = arith.constant 2816 : i32
      %add3A_551 = arith.addi %add3A_550, %mul3A_549 : i32
      %swap3A_552 = arith.index_cast %add3A_551 : i32 to index
      %swap3A_553 = tpu.vector_load %arg7[%swap3A_552] {strides = array<i32>} : memref<3072xf32, #tpu.memory_space<vmem>>, vector<16xf32>,
      tpu.vector_store %arg7[%swap3A_552], %add3A_547 {strides = array<i32>} : memref<3072xf32, #tpu.memory_space<vmem>>, vector<16xf32>,
    }
    %scan3A_107 = arith.constant 16 : i32
    %get3A = arith.constant 192 : index
    %get3A_108 = tpu.vector_load %arg5[%get3A] {strides = array<i32>} : memref<4440xf32, #tpu.memory_space<vmem>>, vector<16xf32>,
    %get3A_109 = arith.constant 328 : index
    %get3A_110 = tpu.vector_load %arg5[%get3A_109] {strides = array<i32>} : memref<4440xf32, #tpu.memory_space<vmem>>, vector<16xf32>,
    %scan3A_111 = arith.constant 0 : i32
    %scan3A_112 = arith.constant 8 : i32
    %scan3A_113 = arith.addi %scan3A_111, %scan3A_112 : i32
    %scan3A_114 = arith.constant 1 : i32
    %scan3A_115 = scf.for %scan3A_118 = %scan3A_111 to %scan3A_113 step %scan3A_114 iter_args(%scan3A_119 = %get3A_108) -> (vector<16xf32>)  : i32 {
      %xor3A = arith.constant 4 : i32
      %xor3A_120 = arith.xori %scan3A_118, %xor3A : i32
      %mul3A_121 = arith.constant 12 : i32
      %mul3A_122 = arith.muli %xor3A_120, %mul3A_121 : i32
      %add3A_123 = arith.constant 0 : i32
      %add3A_124 = arith.addi %add3A_123, %mul3A_122 : i32
      %add3A_125 = vector.broadcast %add3A_124 : i32 to vector<16xi32>
      %add3A_126 = arith.addi %add3A_125, %select_n3A_87 : vector<16xi32>
      %gather3A = tpu.vector_load_idx %arg5[%add3A_126] : memref<4440xf32, #tpu.memory_space<vmem>>[vector<16xi32>], vector<16xf32>,
      %mul3A_127 = arith.mulf %gather3A, %gather3A : vector<16xf32>
      %broadcast_in_dim3A_128 = vector.shape_cast %select_n3A_55 : vector<16xi32> to vector<16x1xi32>
      %gather3A_129 = vector.shape_cast %broadcast_in_dim3A_128 : vector<16x1xi32> to vector<16xi32>
      %gather3A_130 = tpu.dynamic_gather %mul3A_127[%gather3A_129] in [0] : vector<16xf32>, vector<16xi32> -> vector<16xf32>
      %add3A_131 = arith.addf %mul3A_127, %gather3A_130 : vector<16xf32>
      %broadcast_in_dim3A_132 = vector.shape_cast %select_n3A_85 : vector<16xi32> to vector<16x1xi32>
      %gather3A_133 = vector.shape_cast %broadcast_in_dim3A_132 : vector<16x1xi32> to vector<16xi32>
      %gather3A_134 = tpu.dynamic_gather %mul3A_127[%gather3A_133] in [0] : vector<16xf32>, vector<16xi32> -> vector<16xf32>
      %add3A_135 = arith.addf %add3A_131, %gather3A_134 : vector<16xf32>
      %bitcast3A = vector.bitcast %add3A_135 : vector<16xf32> to vector<16xi32>
      %shift_right_arithmetic3A = arith.constant 1 : i32
      %shift_right_arithmetic3A_136 = vector.broadcast %shift_right_arithmetic3A : i32 to vector<16xi32>
      %shift_right_arithmetic3A_137 = arith.shrsi %bitcast3A, %shift_right_arithmetic3A_136 : vector<16xi32>
      %sub3A_138 = arith.constant 1597463007 : i32
      %sub3A_139 = vector.broadcast %sub3A_138 : i32 to vector<16xi32>
      %sub3A_140 = arith.subi %sub3A_139, %shift_right_arithmetic3A_137 : vector<16xi32>
      %bitcast3A_141 = vector.bitcast %sub3A_140 : vector<16xi32> to vector<16xf32>
      %mul3A_142 = arith.constant 5.000000e-01 : f32
      %mul3A_143 = vector.broadcast %mul3A_142 : f32 to vector<16xf32>
      %mul3A_144 = arith.mulf %mul3A_143, %add3A_135 : vector<16xf32>
      %mul3A_145 = arith.mulf %mul3A_144, %bitcast3A_141 : vector<16xf32>
      %mul3A_146 = arith.mulf %mul3A_145, %bitcast3A_141 : vector<16xf32>
      %sub3A_147 = arith.constant 1.500000e+00 : f32
      %sub3A_148 = vector.broadcast %sub3A_147 : f32 to vector<16xf32>
      %sub3A_149 = arith.subf %sub3A_148, %mul3A_146 : vector<16xf32>
      %mul3A_150 = arith.mulf %bitcast3A_141, %sub3A_149 : vector<16xf32>
      %mul3A_151 = arith.constant 5.000000e-01 : f32
      %mul3A_152 = vector.broadcast %mul3A_151 : f32 to vector<16xf32>
      %mul3A_153 = arith.mulf %mul3A_152, %add3A_135 : vector<16xf32>
      %mul3A_154 = arith.mulf %mul3A_153, %mul3A_150 : vector<16xf32>
      %mul3A_155 = arith.mulf %mul3A_154, %mul3A_150 : vector<16xf32>
      %sub3A_156 = arith.constant 1.500000e+00 : f32
      %sub3A_157 = vector.broadcast %sub3A_156 : f32 to vector<16xf32>
      %sub3A_158 = arith.subf %sub3A_157, %mul3A_155 : vector<16xf32>
      %mul3A_159 = arith.mulf %mul3A_150, %sub3A_158 : vector<16xf32>
      %mul3A_160 = arith.constant 5.000000e-01 : f32
      %mul3A_161 = vector.broadcast %mul3A_160 : f32 to vector<16xf32>
      %mul3A_162 = arith.mulf %mul3A_161, %add3A_135 : vector<16xf32>
      %mul3A_163 = arith.mulf %mul3A_162, %mul3A_159 : vector<16xf32>
      %mul3A_164 = arith.mulf %mul3A_163, %mul3A_159 : vector<16xf32>
      %sub3A_165 = arith.constant 1.500000e+00 : f32
      %sub3A_166 = vector.broadcast %sub3A_165 : f32 to vector<16xf32>
      %sub3A_167 = arith.subf %sub3A_166, %mul3A_164 : vector<16xf32>
      %mul3A_168 = arith.mulf %mul3A_159, %sub3A_167 : vector<16xf32>
      %mul3A_169 = arith.mulf %add3A_135, %mul3A_168 : vector<16xf32>
      %get3A_170 = arith.constant 384 : index
      %get3A_171 = tpu.vector_load %arg9[%get3A_170] {strides = array<i32>} : memref<480xf32, #tpu.memory_space<vmem>>, vector<16xf32>,
      %get3A_172 = arith.constant 0 : index
      %get3A_173 = tpu.vector_load %arg9[%get3A_172] {strides = array<i32>} : memref<480xf32, #tpu.memory_space<vmem>>, vector<16xf32>,
      %broadcast_in_dim3A_174 = arith.constant 0 : i32
      %broadcast_in_dim3A_175 = vector.broadcast %broadcast_in_dim3A_174 : i32 to vector<16xi32>
      %broadcast_in_dim3A_176 = vector.shape_cast %broadcast_in_dim3A_175 : vector<16xi32> to vector<16x1xi32>
      %gather3A_177 = vector.shape_cast %broadcast_in_dim3A_176 : vector<16x1xi32> to vector<16xi32>
      %gather3A_178 = tpu.dynamic_gather %mul3A_169[%gather3A_177] in [0] : vector<16xf32>, vector<16xi32> -> vector<16xf32>
      %mul3A_179 = arith.mulf %get3A_173, %gather3A_178 : vector<16xf32>
      %add3A_180 = arith.addf %get3A_171, %mul3A_179 : vector<16xf32>
      %get3A_181 = arith.constant 16 : index
      %get3A_182 = tpu.vector_load %arg9[%get3A_181] {strides = array<i32>} : memref<480xf32, #tpu.memory_space<vmem>>, vector<16xf32>,
      %broadcast_in_dim3A_183 = arith.constant 3 : i32
      %broadcast_in_dim3A_184 = vector.broadcast %broadcast_in_dim3A_183 : i32 to vector<16xi32>
      %broadcast_in_dim3A_185 = vector.shape_cast %broadcast_in_dim3A_184 : vector<16xi32> to vector<16x1xi32>
      %gather3A_186 = vector.shape_cast %broadcast_in_dim3A_185 : vector<16x1xi32> to vector<16xi32>
      %gather3A_187 = tpu.dynamic_gather %mul3A_169[%gather3A_186] in [0] : vector<16xf32>, vector<16xi32> -> vector<16xf32>
      %mul3A_188 = arith.mulf %get3A_182, %gather3A_187 : vector<16xf32>
      %add3A_189 = arith.addf %add3A_180, %mul3A_188 : vector<16xf32>
      %get3A_190 = arith.constant 32 : index
      %get3A_191 = tpu.vector_load %arg9[%get3A_190] {strides = array<i32>} : memref<480xf32, #tpu.memory_space<vmem>>, vector<16xf32>,
      %broadcast_in_dim3A_192 = arith.constant 6 : i32
      %broadcast_in_dim3A_193 = vector.broadcast %broadcast_in_dim3A_192 : i32 to vector<16xi32>
      %broadcast_in_dim3A_194 = vector.shape_cast %broadcast_in_dim3A_193 : vector<16xi32> to vector<16x1xi32>
      %gather3A_195 = vector.shape_cast %broadcast_in_dim3A_194 : vector<16x1xi32> to vector<16xi32>
      %gather3A_196 = tpu.dynamic_gather %mul3A_169[%gather3A_195] in [0] : vector<16xf32>, vector<16xi32> -> vector<16xf32>
      %mul3A_197 = arith.mulf %get3A_191, %gather3A_196 : vector<16xf32>
      %add3A_198 = arith.addf %add3A_189, %mul3A_197 : vector<16xf32>
      %get3A_199 = arith.constant 48 : index
      %get3A_200 = tpu.vector_load %arg9[%get3A_199] {strides = array<i32>} : memref<480xf32, #tpu.memory_space<vmem>>, vector<16xf32>,
      %broadcast_in_dim3A_201 = arith.constant 9 : i32
      %broadcast_in_dim3A_202 = vector.broadcast %broadcast_in_dim3A_201 : i32 to vector<16xi32>
      %broadcast_in_dim3A_203 = vector.shape_cast %broadcast_in_dim3A_202 : vector<16xi32> to vector<16x1xi32>
      %gather3A_204 = vector.shape_cast %broadcast_in_dim3A_203 : vector<16x1xi32> to vector<16xi32>
      %gather3A_205 = tpu.dynamic_gather %mul3A_169[%gather3A_204] in [0] : vector<16xf32>, vector<16xi32> -> vector<16xf32>
      %mul3A_206 = arith.mulf %get3A_200, %gather3A_205 : vector<16xf32>
      %add3A_207 = arith.addf %add3A_198, %mul3A_206 : vector<16xf32>
      %gt3A = arith.constant 0.000000e+00 : f32
      %gt3A_208 = vector.broadcast %gt3A : f32 to vector<16xf32>
      %gt3A_209 = arith.cmpf ogt, %add3A_207, %gt3A_208 : vector<16xf32>
      %exp3A = math.exp %add3A_207 : vector<16xf32>
      %sub3A_210 = arith.constant 1.000000e+00 : f32
      %sub3A_211 = vector.broadcast %sub3A_210 : f32 to vector<16xf32>
      %sub3A_212 = arith.subf %exp3A, %sub3A_211 : vector<16xf32>
      %select_n3A_213 = arith.select %gt3A_209, %add3A_207, %sub3A_212 : vector<16xi1>, vector<16xf32>
      %mul3A_214 = arith.mulf %select_n3A_213, %gather3A : vector<16xf32>
      %mul3A_215 = arith.mulf %mul3A_214, %mul3A_168 : vector<16xf32>
      %xor3A_216 = arith.constant 2 : i32
      %xor3A_217 = arith.xori %scan3A_118, %xor3A_216 : i32
      %mul3A_218 = arith.constant 12 : i32
      %mul3A_219 = arith.muli %xor3A_217, %mul3A_218 : i32
      %add3A_220 = arith.constant 0 : i32
      %add3A_221 = arith.addi %add3A_220, %mul3A_219 : i32
      %add3A_222 = vector.broadcast %add3A_221 : i32 to vector<16xi32>
      %add3A_223 = arith.addi %add3A_222, %select_n3A_87 : vector<16xi32>
      %gather3A_224 = tpu.vector_load_idx %arg5[%add3A_223] : memref<4440xf32, #tpu.memory_space<vmem>>[vector<16xi32>], vector<16xf32>,
      %mul3A_225 = arith.mulf %gather3A_224, %gather3A_224 : vector<16xf32>
      %broadcast_in_dim3A_226 = vector.shape_cast %select_n3A_55 : vector<16xi32> to vector<16x1xi32>
      %gather3A_227 = vector.shape_cast %broadcast_in_dim3A_226 : vector<16x1xi32> to vector<16xi32>
      %gather3A_228 = tpu.dynamic_gather %mul3A_225[%gather3A_227] in [0] : vector<16xf32>, vector<16xi32> -> vector<16xf32>
      %add3A_229 = arith.addf %mul3A_225, %gather3A_228 : vector<16xf32>
      %broadcast_in_dim3A_230 = vector.shape_cast %select_n3A_85 : vector<16xi32> to vector<16x1xi32>
      %gather3A_231 = vector.shape_cast %broadcast_in_dim3A_230 : vector<16x1xi32> to vector<16xi32>
      %gather3A_232 = tpu.dynamic_gather %mul3A_225[%gather3A_231] in [0] : vector<16xf32>, vector<16xi32> -> vector<16xf32>
      %add3A_233 = arith.addf %add3A_229, %gather3A_232 : vector<16xf32>
      %bitcast3A_234 = vector.bitcast %add3A_233 : vector<16xf32> to vector<16xi32>
      %shift_right_arithmetic3A_235 = arith.constant 1 : i32
      %shift_right_arithmetic3A_236 = vector.broadcast %shift_right_arithmetic3A_235 : i32 to vector<16xi32>
      %shift_right_arithmetic3A_237 = arith.shrsi %bitcast3A_234, %shift_right_arithmetic3A_236 : vector<16xi32>
      %sub3A_238 = arith.constant 1597463007 : i32
      %sub3A_239 = vector.broadcast %sub3A_238 : i32 to vector<16xi32>
      %sub3A_240 = arith.subi %sub3A_239, %shift_right_arithmetic3A_237 : vector<16xi32>
      %bitcast3A_241 = vector.bitcast %sub3A_240 : vector<16xi32> to vector<16xf32>
      %mul3A_242 = arith.constant 5.000000e-01 : f32
      %mul3A_243 = vector.broadcast %mul3A_242 : f32 to vector<16xf32>
      %mul3A_244 = arith.mulf %mul3A_243, %add3A_233 : vector<16xf32>
      %mul3A_245 = arith.mulf %mul3A_244, %bitcast3A_241 : vector<16xf32>
      %mul3A_246 = arith.mulf %mul3A_245, %bitcast3A_241 : vector<16xf32>
      %sub3A_247 = arith.constant 1.500000e+00 : f32
      %sub3A_248 = vector.broadcast %sub3A_247 : f32 to vector<16xf32>
      %sub3A_249 = arith.subf %sub3A_248, %mul3A_246 : vector<16xf32>
      %mul3A_250 = arith.mulf %bitcast3A_241, %sub3A_249 : vector<16xf32>
      %mul3A_251 = arith.constant 5.000000e-01 : f32
      %mul3A_252 = vector.broadcast %mul3A_251 : f32 to vector<16xf32>
      %mul3A_253 = arith.mulf %mul3A_252, %add3A_233 : vector<16xf32>
      %mul3A_254 = arith.mulf %mul3A_253, %mul3A_250 : vector<16xf32>
      %mul3A_255 = arith.mulf %mul3A_254, %mul3A_250 : vector<16xf32>
      %sub3A_256 = arith.constant 1.500000e+00 : f32
      %sub3A_257 = vector.broadcast %sub3A_256 : f32 to vector<16xf32>
      %sub3A_258 = arith.subf %sub3A_257, %mul3A_255 : vector<16xf32>
      %mul3A_259 = arith.mulf %mul3A_250, %sub3A_258 : vector<16xf32>
      %mul3A_260 = arith.constant 5.000000e-01 : f32
      %mul3A_261 = vector.broadcast %mul3A_260 : f32 to vector<16xf32>
      %mul3A_262 = arith.mulf %mul3A_261, %add3A_233 : vector<16xf32>
      %mul3A_263 = arith.mulf %mul3A_262, %mul3A_259 : vector<16xf32>
      %mul3A_264 = arith.mulf %mul3A_263, %mul3A_259 : vector<16xf32>
      %sub3A_265 = arith.constant 1.500000e+00 : f32
      %sub3A_266 = vector.broadcast %sub3A_265 : f32 to vector<16xf32>
      %sub3A_267 = arith.subf %sub3A_266, %mul3A_264 : vector<16xf32>
      %mul3A_268 = arith.mulf %mul3A_259, %sub3A_267 : vector<16xf32>
      %mul3A_269 = arith.mulf %add3A_233, %mul3A_268 : vector<16xf32>
      %get3A_270 = arith.constant 400 : index
      %get3A_271 = tpu.vector_load %arg9[%get3A_270] {strides = array<i32>} : memref<480xf32, #tpu.memory_space<vmem>>, vector<16xf32>,
      %get3A_272 = arith.constant 64 : index
      %get3A_273 = tpu.vector_load %arg9[%get3A_272] {strides = array<i32>} : memref<480xf32, #tpu.memory_space<vmem>>, vector<16xf32>,
      %broadcast_in_dim3A_274 = arith.constant 0 : i32
      %broadcast_in_dim3A_275 = vector.broadcast %broadcast_in_dim3A_274 : i32 to vector<16xi32>
      %broadcast_in_dim3A_276 = vector.shape_cast %broadcast_in_dim3A_275 : vector<16xi32> to vector<16x1xi32>
      %gather3A_277 = vector.shape_cast %broadcast_in_dim3A_276 : vector<16x1xi32> to vector<16xi32>
      %gather3A_278 = tpu.dynamic_gather %mul3A_269[%gather3A_277] in [0] : vector<16xf32>, vector<16xi32> -> vector<16xf32>
      %mul3A_279 = arith.mulf %get3A_273, %gather3A_278 : vector<16xf32>
      %add3A_280 = arith.addf %get3A_271, %mul3A_279 : vector<16xf32>
      %get3A_281 = arith.constant 80 : index
      %get3A_282 = tpu.vector_load %arg9[%get3A_281] {strides = array<i32>} : memref<480xf32, #tpu.memory_space<vmem>>, vector<16xf32>,
      %broadcast_in_dim3A_283 = arith.constant 3 : i32
      %broadcast_in_dim3A_284 = vector.broadcast %broadcast_in_dim3A_283 : i32 to vector<16xi32>
      %broadcast_in_dim3A_285 = vector.shape_cast %broadcast_in_dim3A_284 : vector<16xi32> to vector<16x1xi32>
      %gather3A_286 = vector.shape_cast %broadcast_in_dim3A_285 : vector<16x1xi32> to vector<16xi32>
      %gather3A_287 = tpu.dynamic_gather %mul3A_269[%gather3A_286] in [0] : vector<16xf32>, vector<16xi32> -> vector<16xf32>
      %mul3A_288 = arith.mulf %get3A_282, %gather3A_287 : vector<16xf32>
      %add3A_289 = arith.addf %add3A_280, %mul3A_288 : vector<16xf32>
      %get3A_290 = arith.constant 96 : index
      %get3A_291 = tpu.vector_load %arg9[%get3A_290] {strides = array<i32>} : memref<480xf32, #tpu.memory_space<vmem>>, vector<16xf32>,
      %broadcast_in_dim3A_292 = arith.constant 6 : i32
      %broadcast_in_dim3A_293 = vector.broadcast %broadcast_in_dim3A_292 : i32 to vector<16xi32>
      %broadcast_in_dim3A_294 = vector.shape_cast %broadcast_in_dim3A_293 : vector<16xi32> to vector<16x1xi32>
      %gather3A_295 = vector.shape_cast %broadcast_in_dim3A_294 : vector<16x1xi32> to vector<16xi32>
      %gather3A_296 = tpu.dynamic_gather %mul3A_269[%gather3A_295] in [0] : vector<16xf32>, vector<16xi32> -> vector<16xf32>
      %mul3A_297 = arith.mulf %get3A_291, %gather3A_296 : vector<16xf32>
      %add3A_298 = arith.addf %add3A_289, %mul3A_297 : vector<16xf32>
      %get3A_299 = arith.constant 112 : index
      %get3A_300 = tpu.vector_load %arg9[%get3A_299] {strides = array<i32>} : memref<480xf32, #tpu.memory_space<vmem>>, vector<16xf32>,
      %broadcast_in_dim3A_301 = arith.constant 9 : i32
      %broadcast_in_dim3A_302 = vector.broadcast %broadcast_in_dim3A_301 : i32 to vector<16xi32>
      %broadcast_in_dim3A_303 = vector.shape_cast %broadcast_in_dim3A_302 : vector<16xi32> to vector<16x1xi32>
      %gather3A_304 = vector.shape_cast %broadcast_in_dim3A_303 : vector<16x1xi32> to vector<16xi32>
      %gather3A_305 = tpu.dynamic_gather %mul3A_269[%gather3A_304] in [0] : vector<16xf32>, vector<16xi32> -> vector<16xf32>
      %mul3A_306 = arith.mulf %get3A_300, %gather3A_305 : vector<16xf32>
      %add3A_307 = arith.addf %add3A_298, %mul3A_306 : vector<16xf32>
      %gt3A_308 = arith.constant 0.000000e+00 : f32
      %gt3A_309 = vector.broadcast %gt3A_308 : f32 to vector<16xf32>
      %gt3A_310 = arith.cmpf ogt, %add3A_307, %gt3A_309 : vector<16xf32>
      %exp3A_311 = math.exp %add3A_307 : vector<16xf32>
      %sub3A_312 = arith.constant 1.000000e+00 : f32
      %sub3A_313 = vector.broadcast %sub3A_312 : f32 to vector<16xf32>
      %sub3A_314 = arith.subf %exp3A_311, %sub3A_313 : vector<16xf32>
      %select_n3A_315 = arith.select %gt3A_310, %add3A_307, %sub3A_314 : vector<16xi1>, vector<16xf32>
      %mul3A_316 = arith.mulf %select_n3A_315, %gather3A_224 : vector<16xf32>
      %mul3A_317 = arith.mulf %mul3A_316, %mul3A_268 : vector<16xf32>
      %add3A_318 = arith.addf %mul3A_215, %mul3A_317 : vector<16xf32>
      %xor3A_319 = arith.constant 1 : i32
      %xor3A_320 = arith.xori %scan3A_118, %xor3A_319 : i32
      %mul3A_321 = arith.constant 12 : i32
      %mul3A_322 = arith.muli %xor3A_320, %mul3A_321 : i32
      %add3A_323 = arith.constant 0 : i32
      %add3A_324 = arith.addi %add3A_323, %mul3A_322 : i32
      %add3A_325 = vector.broadcast %add3A_324 : i32 to vector<16xi32>
      %add3A_326 = arith.addi %add3A_325, %select_n3A_87 : vector<16xi32>
      %gather3A_327 = tpu.vector_load_idx %arg5[%add3A_326] : memref<4440xf32, #tpu.memory_space<vmem>>[vector<16xi32>], vector<16xf32>,
      %mul3A_328 = arith.mulf %gather3A_327, %gather3A_327 : vector<16xf32>
      %broadcast_in_dim3A_329 = vector.shape_cast %select_n3A_55 : vector<16xi32> to vector<16x1xi32>
      %gather3A_330 = vector.shape_cast %broadcast_in_dim3A_329 : vector<16x1xi32> to vector<16xi32>
      %gather3A_331 = tpu.dynamic_gather %mul3A_328[%gather3A_330] in [0] : vector<16xf32>, vector<16xi32> -> vector<16xf32>
      %add3A_332 = arith.addf %mul3A_328, %gather3A_331 : vector<16xf32>
      %broadcast_in_dim3A_333 = vector.shape_cast %select_n3A_85 : vector<16xi32> to vector<16x1xi32>
      %gather3A_334 = vector.shape_cast %broadcast_in_dim3A_333 : vector<16x1xi32> to vector<16xi32>
      %gather3A_335 = tpu.dynamic_gather %mul3A_328[%gather3A_334] in [0] : vector<16xf32>, vector<16xi32> -> vector<16xf32>
      %add3A_336 = arith.addf %add3A_332, %gather3A_335 : vector<16xf32>
      %bitcast3A_337 = vector.bitcast %add3A_336 : vector<16xf32> to vector<16xi32>
      %shift_right_arithmetic3A_338 = arith.constant 1 : i32
      %shift_right_arithmetic3A_339 = vector.broadcast %shift_right_arithmetic3A_338 : i32 to vector<16xi32>
      %shift_right_arithmetic3A_340 = arith.shrsi %bitcast3A_337, %shift_right_arithmetic3A_339 : vector<16xi32>
      %sub3A_341 = arith.constant 1597463007 : i32
      %sub3A_342 = vector.broadcast %sub3A_341 : i32 to vector<16xi32>
      %sub3A_343 = arith.subi %sub3A_342, %shift_right_arithmetic3A_340 : vector<16xi32>
      %bitcast3A_344 = vector.bitcast %sub3A_343 : vector<16xi32> to vector<16xf32>
      %mul3A_345 = arith.constant 5.000000e-01 : f32
      %mul3A_346 = vector.broadcast %mul3A_345 : f32 to vector<16xf32>
      %mul3A_347 = arith.mulf %mul3A_346, %add3A_336 : vector<16xf32>
      %mul3A_348 = arith.mulf %mul3A_347, %bitcast3A_344 : vector<16xf32>
      %mul3A_349 = arith.mulf %mul3A_348, %bitcast3A_344 : vector<16xf32>
      %sub3A_350 = arith.constant 1.500000e+00 : f32
      %sub3A_351 = vector.broadcast %sub3A_350 : f32 to vector<16xf32>
      %sub3A_352 = arith.subf %sub3A_351, %mul3A_349 : vector<16xf32>
      %mul3A_353 = arith.mulf %bitcast3A_344, %sub3A_352 : vector<16xf32>
      %mul3A_354 = arith.constant 5.000000e-01 : f32
      %mul3A_355 = vector.broadcast %mul3A_354 : f32 to vector<16xf32>
      %mul3A_356 = arith.mulf %mul3A_355, %add3A_336 : vector<16xf32>
      %mul3A_357 = arith.mulf %mul3A_356, %mul3A_353 : vector<16xf32>
      %mul3A_358 = arith.mulf %mul3A_357, %mul3A_353 : vector<16xf32>
      %sub3A_359 = arith.constant 1.500000e+00 : f32
      %sub3A_360 = vector.broadcast %sub3A_359 : f32 to vector<16xf32>
      %sub3A_361 = arith.subf %sub3A_360, %mul3A_358 : vector<16xf32>
      %mul3A_362 = arith.mulf %mul3A_353, %sub3A_361 : vector<16xf32>
      %mul3A_363 = arith.constant 5.000000e-01 : f32
      %mul3A_364 = vector.broadcast %mul3A_363 : f32 to vector<16xf32>
      %mul3A_365 = arith.mulf %mul3A_364, %add3A_336 : vector<16xf32>
      %mul3A_366 = arith.mulf %mul3A_365, %mul3A_362 : vector<16xf32>
      %mul3A_367 = arith.mulf %mul3A_366, %mul3A_362 : vector<16xf32>
      %sub3A_368 = arith.constant 1.500000e+00 : f32
      %sub3A_369 = vector.broadcast %sub3A_368 : f32 to vector<16xf32>
      %sub3A_370 = arith.subf %sub3A_369, %mul3A_367 : vector<16xf32>
      %mul3A_371 = arith.mulf %mul3A_362, %sub3A_370 : vector<16xf32>
      %mul3A_372 = arith.mulf %add3A_336, %mul3A_371 : vector<16xf32>
      %get3A_373 = arith.constant 416 : index
      %get3A_374 = tpu.vector_load %arg9[%get3A_373] {strides = array<i32>} : memref<480xf32, #tpu.memory_space<vmem>>, vector<16xf32>,
      %get3A_375 = arith.constant 128 : index
      %get3A_376 = tpu.vector_load %arg9[%get3A_375] {strides = array<i32>} : memref<480xf32, #tpu.memory_space<vmem>>, vector<16xf32>,
      %broadcast_in_dim3A_377 = arith.constant 0 : i32
      %broadcast_in_dim3A_378 = vector.broadcast %broadcast_in_dim3A_377 : i32 to vector<16xi32>
      %broadcast_in_dim3A_379 = vector.shape_cast %broadcast_in_dim3A_378 : vector<16xi32> to vector<16x1xi32>
      %gather3A_380 = vector.shape_cast %broadcast_in_dim3A_379 : vector<16x1xi32> to vector<16xi32>
      %gather3A_381 = tpu.dynamic_gather %mul3A_372[%gather3A_380] in [0] : vector<16xf32>, vector<16xi32> -> vector<16xf32>
      %mul3A_382 = arith.mulf %get3A_376, %gather3A_381 : vector<16xf32>
      %add3A_383 = arith.addf %get3A_374, %mul3A_382 : vector<16xf32>
      %get3A_384 = arith.constant 144 : index
      %get3A_385 = tpu.vector_load %arg9[%get3A_384] {strides = array<i32>} : memref<480xf32, #tpu.memory_space<vmem>>, vector<16xf32>,
      %broadcast_in_dim3A_386 = arith.constant 3 : i32
      %broadcast_in_dim3A_387 = vector.broadcast %broadcast_in_dim3A_386 : i32 to vector<16xi32>
      %broadcast_in_dim3A_388 = vector.shape_cast %broadcast_in_dim3A_387 : vector<16xi32> to vector<16x1xi32>
      %gather3A_389 = vector.shape_cast %broadcast_in_dim3A_388 : vector<16x1xi32> to vector<16xi32>
      %gather3A_390 = tpu.dynamic_gather %mul3A_372[%gather3A_389] in [0] : vector<16xf32>, vector<16xi32> -> vector<16xf32>
      %mul3A_391 = arith.mulf %get3A_385, %gather3A_390 : vector<16xf32>
      %add3A_392 = arith.addf %add3A_383, %mul3A_391 : vector<16xf32>
      %get3A_393 = arith.constant 160 : index
      %get3A_394 = tpu.vector_load %arg9[%get3A_393] {strides = array<i32>} : memref<480xf32, #tpu.memory_space<vmem>>, vector<16xf32>,
      %broadcast_in_dim3A_395 = arith.constant 6 : i32
      %broadcast_in_dim3A_396 = vector.broadcast %broadcast_in_dim3A_395 : i32 to vector<16xi32>
      %broadcast_in_dim3A_397 = vector.shape_cast %broadcast_in_dim3A_396 : vector<16xi32> to vector<16x1xi32>
      %gather3A_398 = vector.shape_cast %broadcast_in_dim3A_397 : vector<16x1xi32> to vector<16xi32>
      %gather3A_399 = tpu.dynamic_gather %mul3A_372[%gather3A_398] in [0] : vector<16xf32>, vector<16xi32> -> vector<16xf32>
      %mul3A_400 = arith.mulf %get3A_394, %gather3A_399 : vector<16xf32>
      %add3A_401 = arith.addf %add3A_392, %mul3A_400 : vector<16xf32>
      %get3A_402 = arith.constant 176 : index
      %get3A_403 = tpu.vector_load %arg9[%get3A_402] {strides = array<i32>} : memref<480xf32, #tpu.memory_space<vmem>>, vector<16xf32>,
      %broadcast_in_dim3A_404 = arith.constant 9 : i32
      %broadcast_in_dim3A_405 = vector.broadcast %broadcast_in_dim3A_404 : i32 to vector<16xi32>
      %broadcast_in_dim3A_406 = vector.shape_cast %broadcast_in_dim3A_405 : vector<16xi32> to vector<16x1xi32>
      %gather3A_407 = vector.shape_cast %broadcast_in_dim3A_406 : vector<16x1xi32> to vector<16xi32>
      %gather3A_408 = tpu.dynamic_gather %mul3A_372[%gather3A_407] in [0] : vector<16xf32>, vector<16xi32> -> vector<16xf32>
      %mul3A_409 = arith.mulf %get3A_403, %gather3A_408 : vector<16xf32>
      %add3A_410 = arith.addf %add3A_401, %mul3A_409 : vector<16xf32>
      %gt3A_411 = arith.constant 0.000000e+00 : f32
      %gt3A_412 = vector.broadcast %gt3A_411 : f32 to vector<16xf32>
      %gt3A_413 = arith.cmpf ogt, %add3A_410, %gt3A_412 : vector<16xf32>
      %exp3A_414 = math.exp %add3A_410 : vector<16xf32>
      %sub3A_415 = arith.constant 1.000000e+00 : f32
      %sub3A_416 = vector.broadcast %sub3A_415 : f32 to vector<16xf32>
      %sub3A_417 = arith.subf %exp3A_414, %sub3A_416 : vector<16xf32>
      %select_n3A_418 = arith.select %gt3A_413, %add3A_410, %sub3A_417 : vector<16xi1>, vector<16xf32>
      %mul3A_419 = arith.mulf %select_n3A_418, %gather3A_327 : vector<16xf32>
      %mul3A_420 = arith.mulf %mul3A_419, %mul3A_371 : vector<16xf32>
      %add3A_421 = arith.addf %add3A_318, %mul3A_420 : vector<16xf32>
      %xor3A_422 = arith.constant 4 : i32
      %xor3A_423 = arith.xori %scan3A_118, %xor3A_422 : i32
      %mul3A_424 = arith.constant 12 : i32
      %mul3A_425 = arith.muli %xor3A_423, %mul3A_424 : i32
      %add3A_426 = arith.constant 96 : i32
      %add3A_427 = arith.addi %add3A_426, %mul3A_425 : i32
      %add3A_428 = vector.broadcast %add3A_427 : i32 to vector<16xi32>
      %add3A_429 = arith.addi %add3A_428, %select_n3A_87 : vector<16xi32>
      %gather3A_430 = tpu.vector_load_idx %arg5[%add3A_429] : memref<4440xf32, #tpu.memory_space<vmem>>[vector<16xi32>], vector<16xf32>,
      %mul3A_431 = arith.mulf %gather3A_430, %gather3A_430 : vector<16xf32>
      %broadcast_in_dim3A_432 = vector.shape_cast %select_n3A_55 : vector<16xi32> to vector<16x1xi32>
      %gather3A_433 = vector.shape_cast %broadcast_in_dim3A_432 : vector<16x1xi32> to vector<16xi32>
      %gather3A_434 = tpu.dynamic_gather %mul3A_431[%gather3A_433] in [0] : vector<16xf32>, vector<16xi32> -> vector<16xf32>
      %add3A_435 = arith.addf %mul3A_431, %gather3A_434 : vector<16xf32>
      %broadcast_in_dim3A_436 = vector.shape_cast %select_n3A_85 : vector<16xi32> to vector<16x1xi32>
      %gather3A_437 = vector.shape_cast %broadcast_in_dim3A_436 : vector<16x1xi32> to vector<16xi32>
      %gather3A_438 = tpu.dynamic_gather %mul3A_431[%gather3A_437] in [0] : vector<16xf32>, vector<16xi32> -> vector<16xf32>
      %add3A_439 = arith.addf %add3A_435, %gather3A_438 : vector<16xf32>
      %bitcast3A_440 = vector.bitcast %add3A_439 : vector<16xf32> to vector<16xi32>
      %shift_right_arithmetic3A_441 = arith.constant 1 : i32
      %shift_right_arithmetic3A_442 = vector.broadcast %shift_right_arithmetic3A_441 : i32 to vector<16xi32>
      %shift_right_arithmetic3A_443 = arith.shrsi %bitcast3A_440, %shift_right_arithmetic3A_442 : vector<16xi32>
      %sub3A_444 = arith.constant 1597463007 : i32
      %sub3A_445 = vector.broadcast %sub3A_444 : i32 to vector<16xi32>
      %sub3A_446 = arith.subi %sub3A_445, %shift_right_arithmetic3A_443 : vector<16xi32>
      %bitcast3A_447 = vector.bitcast %sub3A_446 : vector<16xi32> to vector<16xf32>
      %mul3A_448 = arith.constant 5.000000e-01 : f32
      %mul3A_449 = vector.broadcast %mul3A_448 : f32 to vector<16xf32>
      %mul3A_450 = arith.mulf %mul3A_449, %add3A_439 : vector<16xf32>
      %mul3A_451 = arith.mulf %mul3A_450, %bitcast3A_447 : vector<16xf32>
      %mul3A_452 = arith.mulf %mul3A_451, %bitcast3A_447 : vector<16xf32>
      %sub3A_453 = arith.constant 1.500000e+00 : f32
      %sub3A_454 = vector.broadcast %sub3A_453 : f32 to vector<16xf32>
      %sub3A_455 = arith.subf %sub3A_454, %mul3A_452 : vector<16xf32>
      %mul3A_456 = arith.mulf %bitcast3A_447, %sub3A_455 : vector<16xf32>
      %mul3A_457 = arith.constant 5.000000e-01 : f32
      %mul3A_458 = vector.broadcast %mul3A_457 : f32 to vector<16xf32>
      %mul3A_459 = arith.mulf %mul3A_458, %add3A_439 : vector<16xf32>
      %mul3A_460 = arith.mulf %mul3A_459, %mul3A_456 : vector<16xf32>
      %mul3A_461 = arith.mulf %mul3A_460, %mul3A_456 : vector<16xf32>
      %sub3A_462 = arith.constant 1.500000e+00 : f32
      %sub3A_463 = vector.broadcast %sub3A_462 : f32 to vector<16xf32>
      %sub3A_464 = arith.subf %sub3A_463, %mul3A_461 : vector<16xf32>
      %mul3A_465 = arith.mulf %mul3A_456, %sub3A_464 : vector<16xf32>
      %mul3A_466 = arith.constant 5.000000e-01 : f32
      %mul3A_467 = vector.broadcast %mul3A_466 : f32 to vector<16xf32>
      %mul3A_468 = arith.mulf %mul3A_467, %add3A_439 : vector<16xf32>
      %mul3A_469 = arith.mulf %mul3A_468, %mul3A_465 : vector<16xf32>
      %mul3A_470 = arith.mulf %mul3A_469, %mul3A_465 : vector<16xf32>
      %sub3A_471 = arith.constant 1.500000e+00 : f32
      %sub3A_472 = vector.broadcast %sub3A_471 : f32 to vector<16xf32>
      %sub3A_473 = arith.subf %sub3A_472, %mul3A_470 : vector<16xf32>
      %mul3A_474 = arith.mulf %mul3A_465, %sub3A_473 : vector<16xf32>
      %mul3A_475 = arith.mulf %add3A_439, %mul3A_474 : vector<16xf32>
      %get3A_476 = arith.constant 432 : index
      %get3A_477 = tpu.vector_load %arg9[%get3A_476] {strides = array<i32>} : memref<480xf32, #tpu.memory_space<vmem>>, vector<16xf32>,
      %get3A_478 = arith.constant 192 : index
      %get3A_479 = tpu.vector_load %arg9[%get3A_478] {strides = array<i32>} : memref<480xf32, #tpu.memory_space<vmem>>, vector<16xf32>,
      %broadcast_in_dim3A_480 = arith.constant 0 : i32
      %broadcast_in_dim3A_481 = vector.broadcast %broadcast_in_dim3A_480 : i32 to vector<16xi32>
      %broadcast_in_dim3A_482 = vector.shape_cast %broadcast_in_dim3A_481 : vector<16xi32> to vector<16x1xi32>
      %gather3A_483 = vector.shape_cast %broadcast_in_dim3A_482 : vector<16x1xi32> to vector<16xi32>
      %gather3A_484 = tpu.dynamic_gather %mul3A_475[%gather3A_483] in [0] : vector<16xf32>, vector<16xi32> -> vector<16xf32>
      %mul3A_485 = arith.mulf %get3A_479, %gather3A_484 : vector<16xf32>
      %add3A_486 = arith.addf %get3A_477, %mul3A_485 : vector<16xf32>
      %get3A_487 = arith.constant 208 : index
      %get3A_488 = tpu.vector_load %arg9[%get3A_487] {strides = array<i32>} : memref<480xf32, #tpu.memory_space<vmem>>, vector<16xf32>,
      %broadcast_in_dim3A_489 = arith.constant 3 : i32
      %broadcast_in_dim3A_490 = vector.broadcast %broadcast_in_dim3A_489 : i32 to vector<16xi32>
      %broadcast_in_dim3A_491 = vector.shape_cast %broadcast_in_dim3A_490 : vector<16xi32> to vector<16x1xi32>
      %gather3A_492 = vector.shape_cast %broadcast_in_dim3A_491 : vector<16x1xi32> to vector<16xi32>
      %gather3A_493 = tpu.dynamic_gather %mul3A_475[%gather3A_492] in [0] : vector<16xf32>, vector<16xi32> -> vector<16xf32>
      %mul3A_494 = arith.mulf %get3A_488, %gather3A_493 : vector<16xf32>
      %add3A_495 = arith.addf %add3A_486, %mul3A_494 : vector<16xf32>
      %get3A_496 = arith.constant 224 : index
      %get3A_497 = tpu.vector_load %arg9[%get3A_496] {strides = array<i32>} : memref<480xf32, #tpu.memory_space<vmem>>, vector<16xf32>,
      %broadcast_in_dim3A_498 = arith.constant 6 : i32
      %broadcast_in_dim3A_499 = vector.broadcast %broadcast_in_dim3A_498 : i32 to vector<16xi32>
      %broadcast_in_dim3A_500 = vector.shape_cast %broadcast_in_dim3A_499 : vector<16xi32> to vector<16x1xi32>
      %gather3A_501 = vector.shape_cast %broadcast_in_dim3A_500 : vector<16x1xi32> to vector<16xi32>
      %gather3A_502 = tpu.dynamic_gather %mul3A_475[%gather3A_501] in [0] : vector<16xf32>, vector<16xi32> -> vector<16xf32>
      %mul3A_503 = arith.mulf %get3A_497, %gather3A_502 : vector<16xf32>
      %add3A_504 = arith.addf %add3A_495, %mul3A_503 : vector<16xf32>
      %get3A_505 = arith.constant 240 : index
      %get3A_506 = tpu.vector_load %arg9[%get3A_505] {strides = array<i32>} : memref<480xf32, #tpu.memory_space<vmem>>, vector<16xf32>,
      %broadcast_in_dim3A_507 = arith.constant 9 : i32
      %broadcast_in_dim3A_508 = vector.broadcast %broadcast_in_dim3A_507 : i32 to vector<16xi32>
      %broadcast_in_dim3A_509 = vector.shape_cast %broadcast_in_dim3A_508 : vector<16xi32> to vector<16x1xi32>
      %gather3A_510 = vector.shape_cast %broadcast_in_dim3A_509 : vector<16x1xi32> to vector<16xi32>
      %gather3A_511 = tpu.dynamic_gather %mul3A_475[%gather3A_510] in [0] : vector<16xf32>, vector<16xi32> -> vector<16xf32>
      %mul3A_512 = arith.mulf %get3A_506, %gather3A_511 : vector<16xf32>
      %add3A_513 = arith.addf %add3A_504, %mul3A_512 : vector<16xf32>
      %gt3A_514 = arith.constant 0.000000e+00 : f32
      %gt3A_515 = vector.broadcast %gt3A_514 : f32 to vector<16xf32>
      %gt3A_516 = arith.cmpf ogt, %add3A_513, %gt3A_515 : vector<16xf32>
      %exp3A_517 = math.exp %add3A_513 : vector<16xf32>
      %sub3A_518 = arith.constant 1.000000e+00 : f32
      %sub3A_519 = vector.broadcast %sub3A_518 : f32 to vector<16xf32>
      %sub3A_520 = arith.subf %exp3A_517, %sub3A_519 : vector<16xf32>
      %select_n3A_521 = arith.select %gt3A_516, %add3A_513, %sub3A_520 : vector<16xi1>, vector<16xf32>
      %mul3A_522 = arith.mulf %select_n3A_521, %gather3A_430 : vector<16xf32>
      %mul3A_523 = arith.mulf %mul3A_522, %mul3A_474 : vector<16xf32>
      %xor3A_524 = arith.constant 2 : i32
      %xor3A_525 = arith.xori %scan3A_118, %xor3A_524 : i32
      %mul3A_526 = arith.constant 12 : i32
      %mul3A_527 = arith.muli %xor3A_525, %mul3A_526 : i32
      %add3A_528 = arith.constant 96 : i32
      %add3A_529 = arith.addi %add3A_528, %mul3A_527 : i32
      %add3A_530 = vector.broadcast %add3A_529 : i32 to vector<16xi32>
      %add3A_531 = arith.addi %add3A_530, %select_n3A_87 : vector<16xi32>
      %gather3A_532 = tpu.vector_load_idx %arg5[%add3A_531] : memref<4440xf32, #tpu.memory_space<vmem>>[vector<16xi32>], vector<16xf32>,
      %mul3A_533 = arith.mulf %gather3A_532, %gather3A_532 : vector<16xf32>
      %broadcast_in_dim3A_534 = vector.shape_cast %select_n3A_55 : vector<16xi32> to vector<16x1xi32>
      %gather3A_535 = vector.shape_cast %broadcast_in_dim3A_534 : vector<16x1xi32> to vector<16xi32>
      %gather3A_536 = tpu.dynamic_gather %mul3A_533[%gather3A_535] in [0] : vector<16xf32>, vector<16xi32> -> vector<16xf32>
      %add3A_537 = arith.addf %mul3A_533, %gather3A_536 : vector<16xf32>
      %broadcast_in_dim3A_538 = vector.shape_cast %select_n3A_85 : vector<16xi32> to vector<16x1xi32>
      %gather3A_539 = vector.shape_cast %broadcast_in_dim3A_538 : vector<16x1xi32> to vector<16xi32>
      %gather3A_540 = tpu.dynamic_gather %mul3A_533[%gather3A_539] in [0] : vector<16xf32>, vector<16xi32> -> vector<16xf32>
      %add3A_541 = arith.addf %add3A_537, %gather3A_540 : vector<16xf32>
      %bitcast3A_542 = vector.bitcast %add3A_541 : vector<16xf32> to vector<16xi32>
      %shift_right_arithmetic3A_543 = arith.constant 1 : i32
      %shift_right_arithmetic3A_544 = vector.broadcast %shift_right_arithmetic3A_543 : i32 to vector<16xi32>
      %shift_right_arithmetic3A_545 = arith.shrsi %bitcast3A_542, %shift_right_arithmetic3A_544 : vector<16xi32>
      %sub3A_546 = arith.constant 1597463007 : i32
      %sub3A_547 = vector.broadcast %sub3A_546 : i32 to vector<16xi32>
      %sub3A_548 = arith.subi %sub3A_547, %shift_right_arithmetic3A_545 : vector<16xi32>
      %bitcast3A_549 = vector.bitcast %sub3A_548 : vector<16xi32> to vector<16xf32>
      %mul3A_550 = arith.constant 5.000000e-01 : f32
      %mul3A_551 = vector.broadcast %mul3A_550 : f32 to vector<16xf32>
      %mul3A_552 = arith.mulf %mul3A_551, %add3A_541 : vector<16xf32>
      %mul3A_553 = arith.mulf %mul3A_552, %bitcast3A_549 : vector<16xf32>
      %mul3A_554 = arith.mulf %mul3A_553, %bitcast3A_549 : vector<16xf32>
      %sub3A_555 = arith.constant 1.500000e+00 : f32
      %sub3A_556 = vector.broadcast %sub3A_555 : f32 to vector<16xf32>
      %sub3A_557 = arith.subf %sub3A_556, %mul3A_554 : vector<16xf32>
      %mul3A_558 = arith.mulf %bitcast3A_549, %sub3A_557 : vector<16xf32>
      %mul3A_559 = arith.constant 5.000000e-01 : f32
      %mul3A_560 = vector.broadcast %mul3A_559 : f32 to vector<16xf32>
      %mul3A_561 = arith.mulf %mul3A_560, %add3A_541 : vector<16xf32>
      %mul3A_562 = arith.mulf %mul3A_561, %mul3A_558 : vector<16xf32>
      %mul3A_563 = arith.mulf %mul3A_562, %mul3A_558 : vector<16xf32>
      %sub3A_564 = arith.constant 1.500000e+00 : f32
      %sub3A_565 = vector.broadcast %sub3A_564 : f32 to vector<16xf32>
      %sub3A_566 = arith.subf %sub3A_565, %mul3A_563 : vector<16xf32>
      %mul3A_567 = arith.mulf %mul3A_558, %sub3A_566 : vector<16xf32>
      %mul3A_568 = arith.constant 5.000000e-01 : f32
      %mul3A_569 = vector.broadcast %mul3A_568 : f32 to vector<16xf32>
      %mul3A_570 = arith.mulf %mul3A_569, %add3A_541 : vector<16xf32>
      %mul3A_571 = arith.mulf %mul3A_570, %mul3A_567 : vector<16xf32>
      %mul3A_572 = arith.mulf %mul3A_571, %mul3A_567 : vector<16xf32>
      %sub3A_573 = arith.constant 1.500000e+00 : f32
      %sub3A_574 = vector.broadcast %sub3A_573 : f32 to vector<16xf32>
      %sub3A_575 = arith.subf %sub3A_574, %mul3A_572 : vector<16xf32>
      %mul3A_576 = arith.mulf %mul3A_567, %sub3A_575 : vector<16xf32>
      %mul3A_577 = arith.mulf %add3A_541, %mul3A_576 : vector<16xf32>
      %get3A_578 = arith.constant 448 : index
      %get3A_579 = tpu.vector_load %arg9[%get3A_578] {strides = array<i32>} : memref<480xf32, #tpu.memory_space<vmem>>, vector<16xf32>,
      %get3A_580 = arith.constant 256 : index
      %get3A_581 = tpu.vector_load %arg9[%get3A_580] {strides = array<i32>} : memref<480xf32, #tpu.memory_space<vmem>>, vector<16xf32>,
      %broadcast_in_dim3A_582 = arith.constant 0 : i32
      %broadcast_in_dim3A_583 = vector.broadcast %broadcast_in_dim3A_582 : i32 to vector<16xi32>
      %broadcast_in_dim3A_584 = vector.shape_cast %broadcast_in_dim3A_583 : vector<16xi32> to vector<16x1xi32>
      %gather3A_585 = vector.shape_cast %broadcast_in_dim3A_584 : vector<16x1xi32> to vector<16xi32>
      %gather3A_586 = tpu.dynamic_gather %mul3A_577[%gather3A_585] in [0] : vector<16xf32>, vector<16xi32> -> vector<16xf32>
      %mul3A_587 = arith.mulf %get3A_581, %gather3A_586 : vector<16xf32>
      %add3A_588 = arith.addf %get3A_579, %mul3A_587 : vector<16xf32>
      %get3A_589 = arith.constant 272 : index
      %get3A_590 = tpu.vector_load %arg9[%get3A_589] {strides = array<i32>} : memref<480xf32, #tpu.memory_space<vmem>>, vector<16xf32>,
      %broadcast_in_dim3A_591 = arith.constant 3 : i32
      %broadcast_in_dim3A_592 = vector.broadcast %broadcast_in_dim3A_591 : i32 to vector<16xi32>
      %broadcast_in_dim3A_593 = vector.shape_cast %broadcast_in_dim3A_592 : vector<16xi32> to vector<16x1xi32>
      %gather3A_594 = vector.shape_cast %broadcast_in_dim3A_593 : vector<16x1xi32> to vector<16xi32>
      %gather3A_595 = tpu.dynamic_gather %mul3A_577[%gather3A_594] in [0] : vector<16xf32>, vector<16xi32> -> vector<16xf32>
      %mul3A_596 = arith.mulf %get3A_590, %gather3A_595 : vector<16xf32>
      %add3A_597 = arith.addf %add3A_588, %mul3A_596 : vector<16xf32>
      %get3A_598 = arith.constant 288 : index
      %get3A_599 = tpu.vector_load %arg9[%get3A_598] {strides = array<i32>} : memref<480xf32, #tpu.memory_space<vmem>>, vector<16xf32>,
      %broadcast_in_dim3A_600 = arith.constant 6 : i32
      %broadcast_in_dim3A_601 = vector.broadcast %broadcast_in_dim3A_600 : i32 to vector<16xi32>
      %broadcast_in_dim3A_602 = vector.shape_cast %broadcast_in_dim3A_601 : vector<16xi32> to vector<16x1xi32>
      %gather3A_603 = vector.shape_cast %broadcast_in_dim3A_602 : vector<16x1xi32> to vector<16xi32>
      %gather3A_604 = tpu.dynamic_gather %mul3A_577[%gather3A_603] in [0] : vector<16xf32>, vector<16xi32> -> vector<16xf32>
      %mul3A_605 = arith.mulf %get3A_599, %gather3A_604 : vector<16xf32>
      %add3A_606 = arith.addf %add3A_597, %mul3A_605 : vector<16xf32>
      %get3A_607 = arith.constant 304 : index
      %get3A_608 = tpu.vector_load %arg9[%get3A_607] {strides = array<i32>} : memref<480xf32, #tpu.memory_space<vmem>>, vector<16xf32>,
      %broadcast_in_dim3A_609 = arith.constant 9 : i32
      %broadcast_in_dim3A_610 = vector.broadcast %broadcast_in_dim3A_609 : i32 to vector<16xi32>
      %broadcast_in_dim3A_611 = vector.shape_cast %broadcast_in_dim3A_610 : vector<16xi32> to vector<16x1xi32>
      %gather3A_612 = vector.shape_cast %broadcast_in_dim3A_611 : vector<16x1xi32> to vector<16xi32>
      %gather3A_613 = tpu.dynamic_gather %mul3A_577[%gather3A_612] in [0] : vector<16xf32>, vector<16xi32> -> vector<16xf32>
      %mul3A_614 = arith.mulf %get3A_608, %gather3A_613 : vector<16xf32>
      %add3A_615 = arith.addf %add3A_606, %mul3A_614 : vector<16xf32>
      %gt3A_616 = arith.constant 0.000000e+00 : f32
      %gt3A_617 = vector.broadcast %gt3A_616 : f32 to vector<16xf32>
      %gt3A_618 = arith.cmpf ogt, %add3A_615, %gt3A_617 : vector<16xf32>
      %exp3A_619 = math.exp %add3A_615 : vector<16xf32>
      %sub3A_620 = arith.constant 1.000000e+00 : f32
      %sub3A_621 = vector.broadcast %sub3A_620 : f32 to vector<16xf32>
      %sub3A_622 = arith.subf %exp3A_619, %sub3A_621 : vector<16xf32>
      %select_n3A_623 = arith.select %gt3A_618, %add3A_615, %sub3A_622 : vector<16xi1>, vector<16xf32>
      %mul3A_624 = arith.mulf %select_n3A_623, %gather3A_532 : vector<16xf32>
      %mul3A_625 = arith.mulf %mul3A_624, %mul3A_576 : vector<16xf32>
      %add3A_626 = arith.addf %mul3A_523, %mul3A_625 : vector<16xf32>
      %xor3A_627 = arith.constant 1 : i32
      %xor3A_628 = arith.xori %scan3A_118, %xor3A_627 : i32
      %mul3A_629 = arith.constant 12 : i32
      %mul3A_630 = arith.muli %xor3A_628, %mul3A_629 : i32
      %add3A_631 = arith.constant 96 : i32
      %add3A_632 = arith.addi %add3A_631, %mul3A_630 : i32
      %add3A_633 = vector.broadcast %add3A_632 : i32 to vector<16xi32>
      %add3A_634 = arith.addi %add3A_633, %select_n3A_87 : vector<16xi32>
      %gather3A_635 = tpu.vector_load_idx %arg5[%add3A_634] : memref<4440xf32, #tpu.memory_space<vmem>>[vector<16xi32>], vector<16xf32>,
      %mul3A_636 = arith.mulf %gather3A_635, %gather3A_635 : vector<16xf32>
      %broadcast_in_dim3A_637 = vector.shape_cast %select_n3A_55 : vector<16xi32> to vector<16x1xi32>
      %gather3A_638 = vector.shape_cast %broadcast_in_dim3A_637 : vector<16x1xi32> to vector<16xi32>
      %gather3A_639 = tpu.dynamic_gather %mul3A_636[%gather3A_638] in [0] : vector<16xf32>, vector<16xi32> -> vector<16xf32>
      %add3A_640 = arith.addf %mul3A_636, %gather3A_639 : vector<16xf32>
      %broadcast_in_dim3A_641 = vector.shape_cast %select_n3A_85 : vector<16xi32> to vector<16x1xi32>
      %gather3A_642 = vector.shape_cast %broadcast_in_dim3A_641 : vector<16x1xi32> to vector<16xi32>
      %gather3A_643 = tpu.dynamic_gather %mul3A_636[%gather3A_642] in [0] : vector<16xf32>, vector<16xi32> -> vector<16xf32>
      %add3A_644 = arith.addf %add3A_640, %gather3A_643 : vector<16xf32>
      %bitcast3A_645 = vector.bitcast %add3A_644 : vector<16xf32> to vector<16xi32>
      %shift_right_arithmetic3A_646 = arith.constant 1 : i32
      %shift_right_arithmetic3A_647 = vector.broadcast %shift_right_arithmetic3A_646 : i32 to vector<16xi32>
      %shift_right_arithmetic3A_648 = arith.shrsi %bitcast3A_645, %shift_right_arithmetic3A_647 : vector<16xi32>
      %sub3A_649 = arith.constant 1597463007 : i32
      %sub3A_650 = vector.broadcast %sub3A_649 : i32 to vector<16xi32>
      %sub3A_651 = arith.subi %sub3A_650, %shift_right_arithmetic3A_648 : vector<16xi32>
      %bitcast3A_652 = vector.bitcast %sub3A_651 : vector<16xi32> to vector<16xf32>
      %mul3A_653 = arith.constant 5.000000e-01 : f32
      %mul3A_654 = vector.broadcast %mul3A_653 : f32 to vector<16xf32>
      %mul3A_655 = arith.mulf %mul3A_654, %add3A_644 : vector<16xf32>
      %mul3A_656 = arith.mulf %mul3A_655, %bitcast3A_652 : vector<16xf32>
      %mul3A_657 = arith.mulf %mul3A_656, %bitcast3A_652 : vector<16xf32>
      %sub3A_658 = arith.constant 1.500000e+00 : f32
      %sub3A_659 = vector.broadcast %sub3A_658 : f32 to vector<16xf32>
      %sub3A_660 = arith.subf %sub3A_659, %mul3A_657 : vector<16xf32>
      %mul3A_661 = arith.mulf %bitcast3A_652, %sub3A_660 : vector<16xf32>
      %mul3A_662 = arith.constant 5.000000e-01 : f32
      %mul3A_663 = vector.broadcast %mul3A_662 : f32 to vector<16xf32>
      %mul3A_664 = arith.mulf %mul3A_663, %add3A_644 : vector<16xf32>
      %mul3A_665 = arith.mulf %mul3A_664, %mul3A_661 : vector<16xf32>
      %mul3A_666 = arith.mulf %mul3A_665, %mul3A_661 : vector<16xf32>
      %sub3A_667 = arith.constant 1.500000e+00 : f32
      %sub3A_668 = vector.broadcast %sub3A_667 : f32 to vector<16xf32>
      %sub3A_669 = arith.subf %sub3A_668, %mul3A_666 : vector<16xf32>
      %mul3A_670 = arith.mulf %mul3A_661, %sub3A_669 : vector<16xf32>
      %mul3A_671 = arith.constant 5.000000e-01 : f32
      %mul3A_672 = vector.broadcast %mul3A_671 : f32 to vector<16xf32>
      %mul3A_673 = arith.mulf %mul3A_672, %add3A_644 : vector<16xf32>
      %mul3A_674 = arith.mulf %mul3A_673, %mul3A_670 : vector<16xf32>
      %mul3A_675 = arith.mulf %mul3A_674, %mul3A_670 : vector<16xf32>
      %sub3A_676 = arith.constant 1.500000e+00 : f32
      %sub3A_677 = vector.broadcast %sub3A_676 : f32 to vector<16xf32>
      %sub3A_678 = arith.subf %sub3A_677, %mul3A_675 : vector<16xf32>
      %mul3A_679 = arith.mulf %mul3A_670, %sub3A_678 : vector<16xf32>
      %mul3A_680 = arith.mulf %add3A_644, %mul3A_679 : vector<16xf32>
      %get3A_681 = arith.constant 464 : index
      %get3A_682 = tpu.vector_load %arg9[%get3A_681] {strides = array<i32>} : memref<480xf32, #tpu.memory_space<vmem>>, vector<16xf32>,
      %get3A_683 = arith.constant 320 : index
      %get3A_684 = tpu.vector_load %arg9[%get3A_683] {strides = array<i32>} : memref<480xf32, #tpu.memory_space<vmem>>, vector<16xf32>,
      %broadcast_in_dim3A_685 = arith.constant 0 : i32
      %broadcast_in_dim3A_686 = vector.broadcast %broadcast_in_dim3A_685 : i32 to vector<16xi32>
      %broadcast_in_dim3A_687 = vector.shape_cast %broadcast_in_dim3A_686 : vector<16xi32> to vector<16x1xi32>
      %gather3A_688 = vector.shape_cast %broadcast_in_dim3A_687 : vector<16x1xi32> to vector<16xi32>
      %gather3A_689 = tpu.dynamic_gather %mul3A_680[%gather3A_688] in [0] : vector<16xf32>, vector<16xi32> -> vector<16xf32>
      %mul3A_690 = arith.mulf %get3A_684, %gather3A_689 : vector<16xf32>
      %add3A_691 = arith.addf %get3A_682, %mul3A_690 : vector<16xf32>
      %get3A_692 = arith.constant 336 : index
      %get3A_693 = tpu.vector_load %arg9[%get3A_692] {strides = array<i32>} : memref<480xf32, #tpu.memory_space<vmem>>, vector<16xf32>,
      %broadcast_in_dim3A_694 = arith.constant 3 : i32
      %broadcast_in_dim3A_695 = vector.broadcast %broadcast_in_dim3A_694 : i32 to vector<16xi32>
      %broadcast_in_dim3A_696 = vector.shape_cast %broadcast_in_dim3A_695 : vector<16xi32> to vector<16x1xi32>
      %gather3A_697 = vector.shape_cast %broadcast_in_dim3A_696 : vector<16x1xi32> to vector<16xi32>
      %gather3A_698 = tpu.dynamic_gather %mul3A_680[%gather3A_697] in [0] : vector<16xf32>, vector<16xi32> -> vector<16xf32>
      %mul3A_699 = arith.mulf %get3A_693, %gather3A_698 : vector<16xf32>
      %add3A_700 = arith.addf %add3A_691, %mul3A_699 : vector<16xf32>
      %get3A_701 = arith.constant 352 : index
      %get3A_702 = tpu.vector_load %arg9[%get3A_701] {strides = array<i32>} : memref<480xf32, #tpu.memory_space<vmem>>, vector<16xf32>,
      %broadcast_in_dim3A_703 = arith.constant 6 : i32
      %broadcast_in_dim3A_704 = vector.broadcast %broadcast_in_dim3A_703 : i32 to vector<16xi32>
      %broadcast_in_dim3A_705 = vector.shape_cast %broadcast_in_dim3A_704 : vector<16xi32> to vector<16x1xi32>
      %gather3A_706 = vector.shape_cast %broadcast_in_dim3A_705 : vector<16x1xi32> to vector<16xi32>
      %gather3A_707 = tpu.dynamic_gather %mul3A_680[%gather3A_706] in [0] : vector<16xf32>, vector<16xi32> -> vector<16xf32>
      %mul3A_708 = arith.mulf %get3A_702, %gather3A_707 : vector<16xf32>
      %add3A_709 = arith.addf %add3A_700, %mul3A_708 : vector<16xf32>
      %get3A_710 = arith.constant 368 : index
      %get3A_711 = tpu.vector_load %arg9[%get3A_710] {strides = array<i32>} : memref<480xf32, #tpu.memory_space<vmem>>, vector<16xf32>,
      %broadcast_in_dim3A_712 = arith.constant 9 : i32
      %broadcast_in_dim3A_713 = vector.broadcast %broadcast_in_dim3A_712 : i32 to vector<16xi32>
      %broadcast_in_dim3A_714 = vector.shape_cast %broadcast_in_dim3A_713 : vector<16xi32> to vector<16x1xi32>
      %gather3A_715 = vector.shape_cast %broadcast_in_dim3A_714 : vector<16x1xi32> to vector<16xi32>
      %gather3A_716 = tpu.dynamic_gather %mul3A_680[%gather3A_715] in [0] : vector<16xf32>, vector<16xi32> -> vector<16xf32>
      %mul3A_717 = arith.mulf %get3A_711, %gather3A_716 : vector<16xf32>
      %add3A_718 = arith.addf %add3A_709, %mul3A_717 : vector<16xf32>
      %gt3A_719 = arith.constant 0.000000e+00 : f32
      %gt3A_720 = vector.broadcast %gt3A_719 : f32 to vector<16xf32>
      %gt3A_721 = arith.cmpf ogt, %add3A_718, %gt3A_720 : vector<16xf32>
      %exp3A_722 = math.exp %add3A_718 : vector<16xf32>
      %sub3A_723 = arith.constant 1.000000e+00 : f32
      %sub3A_724 = vector.broadcast %sub3A_723 : f32 to vector<16xf32>
      %sub3A_725 = arith.subf %exp3A_722, %sub3A_724 : vector<16xf32>
      %select_n3A_726 = arith.select %gt3A_721, %add3A_718, %sub3A_725 : vector<16xi1>, vector<16xf32>
      %mul3A_727 = arith.mulf %select_n3A_726, %gather3A_635 : vector<16xf32>
      %mul3A_728 = arith.mulf %mul3A_727, %mul3A_679 : vector<16xf32>
      %add3A_729 = arith.addf %add3A_626, %mul3A_728 : vector<16xf32>
      %add3A_730 = arith.addf %add3A_421, %add3A_729 : vector<16xf32>
      %mul3A_731 = arith.constant 12 : i32
      %mul3A_732 = arith.muli %scan3A_118, %mul3A_731 : i32
      %add3A_733 = arith.constant 0 : i32
      %add3A_734 = arith.addi %add3A_733, %mul3A_732 : i32
      %add3A_735 = vector.broadcast %add3A_734 : i32 to vector<16xi32>
      %add3A_736 = arith.addi %add3A_735, %select_n3A_87 : vector<16xi32>
      tpu.vector_store_idx %arg5[%add3A_736], %add3A_730 masked %lt3A_27 : memref<4440xf32, #tpu.memory_space<vmem>>[vector<16xi32>], vector<16xf32>, vector<16xi1>
      %broadcast_in_dim3A_737 = arith.constant 0 : i32
      %broadcast_in_dim3A_738 = vector.broadcast %broadcast_in_dim3A_737 : i32 to vector<16xi32>
      %broadcast_in_dim3A_739 = vector.shape_cast %broadcast_in_dim3A_738 : vector<16xi32> to vector<16x1xi32>
      %gather3A_740 = vector.shape_cast %broadcast_in_dim3A_739 : vector<16x1xi32> to vector<16xi32>
      %gather3A_741 = tpu.dynamic_gather %add3A_730[%gather3A_740] in [0] : vector<16xf32>, vector<16xi32> -> vector<16xf32>
      %broadcast_in_dim3A_742 = arith.constant 1 : i32
      %broadcast_in_dim3A_743 = vector.broadcast %broadcast_in_dim3A_742 : i32 to vector<16xi32>
      %broadcast_in_dim3A_744 = vector.shape_cast %broadcast_in_dim3A_743 : vector<16xi32> to vector<16x1xi32>
      %gather3A_745 = vector.shape_cast %broadcast_in_dim3A_744 : vector<16x1xi32> to vector<16xi32>
      %gather3A_746 = tpu.dynamic_gather %add3A_730[%gather3A_745] in [0] : vector<16xf32>, vector<16xi32> -> vector<16xf32>
      %broadcast_in_dim3A_747 = arith.constant 2 : i32
      %broadcast_in_dim3A_748 = vector.broadcast %broadcast_in_dim3A_747 : i32 to vector<16xi32>
      %broadcast_in_dim3A_749 = vector.shape_cast %broadcast_in_dim3A_748 : vector<16xi32> to vector<16x1xi32>
      %gather3A_750 = vector.shape_cast %broadcast_in_dim3A_749 : vector<16x1xi32> to vector<16xi32>
      %gather3A_751 = tpu.dynamic_gather %add3A_730[%gather3A_750] in [0] : vector<16xf32>, vector<16xi32> -> vector<16xf32>
      %broadcast_in_dim3A_752 = arith.constant 3 : i32
      %broadcast_in_dim3A_753 = vector.broadcast %broadcast_in_dim3A_752 : i32 to vector<16xi32>
      %broadcast_in_dim3A_754 = vector.shape_cast %broadcast_in_dim3A_753 : vector<16xi32> to vector<16x1xi32>
      %gather3A_755 = vector.shape_cast %broadcast_in_dim3A_754 : vector<16x1xi32> to vector<16xi32>
      %gather3A_756 = tpu.dynamic_gather %add3A_730[%gather3A_755] in [0] : vector<16xf32>, vector<16xi32> -> vector<16xf32>
      %broadcast_in_dim3A_757 = arith.constant 4 : i32
      %broadcast_in_dim3A_758 = vector.broadcast %broadcast_in_dim3A_757 : i32 to vector<16xi32>
      %broadcast_in_dim3A_759 = vector.shape_cast %broadcast_in_dim3A_758 : vector<16xi32> to vector<16x1xi32>
      %gather3A_760 = vector.shape_cast %broadcast_in_dim3A_759 : vector<16x1xi32> to vector<16xi32>
      %gather3A_761 = tpu.dynamic_gather %add3A_730[%gather3A_760] in [0] : vector<16xf32>, vector<16xi32> -> vector<16xf32>
      %broadcast_in_dim3A_762 = arith.constant 5 : i32
      %broadcast_in_dim3A_763 = vector.broadcast %broadcast_in_dim3A_762 : i32 to vector<16xi32>
      %broadcast_in_dim3A_764 = vector.shape_cast %broadcast_in_dim3A_763 : vector<16xi32> to vector<16x1xi32>
      %gather3A_765 = vector.shape_cast %broadcast_in_dim3A_764 : vector<16x1xi32> to vector<16xi32>
      %gather3A_766 = tpu.dynamic_gather %add3A_730[%gather3A_765] in [0] : vector<16xf32>, vector<16xi32> -> vector<16xf32>
      %broadcast_in_dim3A_767 = arith.constant 6 : i32
      %broadcast_in_dim3A_768 = vector.broadcast %broadcast_in_dim3A_767 : i32 to vector<16xi32>
      %broadcast_in_dim3A_769 = vector.shape_cast %broadcast_in_dim3A_768 : vector<16xi32> to vector<16x1xi32>
      %gather3A_770 = vector.shape_cast %broadcast_in_dim3A_769 : vector<16x1xi32> to vector<16xi32>
      %gather3A_771 = tpu.dynamic_gather %add3A_730[%gather3A_770] in [0] : vector<16xf32>, vector<16xi32> -> vector<16xf32>
      %broadcast_in_dim3A_772 = arith.constant 7 : i32
      %broadcast_in_dim3A_773 = vector.broadcast %broadcast_in_dim3A_772 : i32 to vector<16xi32>
      %broadcast_in_dim3A_774 = vector.shape_cast %broadcast_in_dim3A_773 : vector<16xi32> to vector<16x1xi32>
      %gather3A_775 = vector.shape_cast %broadcast_in_dim3A_774 : vector<16x1xi32> to vector<16xi32>
      %gather3A_776 = tpu.dynamic_gather %add3A_730[%gather3A_775] in [0] : vector<16xf32>, vector<16xi32> -> vector<16xf32>
      %broadcast_in_dim3A_777 = arith.constant 8 : i32
      %broadcast_in_dim3A_778 = vector.broadcast %broadcast_in_dim3A_777 : i32 to vector<16xi32>
      %broadcast_in_dim3A_779 = vector.shape_cast %broadcast_in_dim3A_778 : vector<16xi32> to vector<16x1xi32>
      %gather3A_780 = vector.shape_cast %broadcast_in_dim3A_779 : vector<16x1xi32> to vector<16xi32>
      %gather3A_781 = tpu.dynamic_gather %add3A_730[%gather3A_780] in [0] : vector<16xf32>, vector<16xi32> -> vector<16xf32>
      %broadcast_in_dim3A_782 = arith.constant 9 : i32
      %broadcast_in_dim3A_783 = vector.broadcast %broadcast_in_dim3A_782 : i32 to vector<16xi32>
      %broadcast_in_dim3A_784 = vector.shape_cast %broadcast_in_dim3A_783 : vector<16xi32> to vector<16x1xi32>
      %gather3A_785 = vector.shape_cast %broadcast_in_dim3A_784 : vector<16x1xi32> to vector<16xi32>
      %gather3A_786 = tpu.dynamic_gather %add3A_730[%gather3A_785] in [0] : vector<16xf32>, vector<16xi32> -> vector<16xf32>
      %broadcast_in_dim3A_787 = arith.constant 10 : i32
      %broadcast_in_dim3A_788 = vector.broadcast %broadcast_in_dim3A_787 : i32 to vector<16xi32>
      %broadcast_in_dim3A_789 = vector.shape_cast %broadcast_in_dim3A_788 : vector<16xi32> to vector<16x1xi32>
      %gather3A_790 = vector.shape_cast %broadcast_in_dim3A_789 : vector<16x1xi32> to vector<16xi32>
      %gather3A_791 = tpu.dynamic_gather %add3A_730[%gather3A_790] in [0] : vector<16xf32>, vector<16xi32> -> vector<16xf32>
      %broadcast_in_dim3A_792 = arith.constant 11 : i32
      %broadcast_in_dim3A_793 = vector.broadcast %broadcast_in_dim3A_792 : i32 to vector<16xi32>
      %broadcast_in_dim3A_794 = vector.shape_cast %broadcast_in_dim3A_793 : vector<16xi32> to vector<16x1xi32>
      %gather3A_795 = vector.shape_cast %broadcast_in_dim3A_794 : vector<16x1xi32> to vector<16xi32>
      %gather3A_796 = tpu.dynamic_gather %add3A_730[%gather3A_795] in [0] : vector<16xf32>, vector<16xi32> -> vector<16xf32>
      %broadcast_in_dim3A_797 = arith.constant 0xFF800000 : f32
      %broadcast_in_dim3A_798 = vector.broadcast %broadcast_in_dim3A_797 : f32 to vector<16xf32>
      %scan3A_799 = arith.constant 0 : i32
      %scan3A_800 = arith.constant 16 : i32
      %scan3A_801 = arith.addi %scan3A_799, %scan3A_800 : i32
      %scan3A_802 = arith.constant 1 : i32
      %scan3A_803 = scf.for %scan3A_910 = %scan3A_799 to %scan3A_801 step %scan3A_802 iter_args(%scan3A_911 = %broadcast_in_dim3A_798) -> (vector<16xf32>)  : i32 {
        %mul3A_912 = arith.constant 16 : i32
        %mul3A_913 = arith.muli %scan3A_910, %mul3A_912 : i32
        %get3A_914 = arith.index_cast %mul3A_913 : i32 to index
        %get3A_915 = tpu.vector_load %arg7[%get3A_914] {strides = array<i32>} : memref<3072xf32, #tpu.memory_space<vmem>>, vector<16xf32>,
        %mul3A_916 = arith.mulf %get3A_915, %gather3A_741 : vector<16xf32>
        %mul3A_917 = arith.constant 16 : i32
        %mul3A_918 = arith.muli %scan3A_910, %mul3A_917 : i32
        %add3A_919 = arith.constant 256 : i32
        %add3A_920 = arith.addi %add3A_919, %mul3A_918 : i32
        %get3A_921 = arith.index_cast %add3A_920 : i32 to index
        %get3A_922 = tpu.vector_load %arg7[%get3A_921] {strides = array<i32>} : memref<3072xf32, #tpu.memory_space<vmem>>, vector<16xf32>,
        %mul3A_923 = arith.mulf %get3A_922, %gather3A_746 : vector<16xf32>
        %add3A_924 = arith.addf %mul3A_916, %mul3A_923 : vector<16xf32>
        %mul3A_925 = arith.constant 16 : i32
        %mul3A_926 = arith.muli %scan3A_910, %mul3A_925 : i32
        %add3A_927 = arith.constant 512 : i32
        %add3A_928 = arith.addi %add3A_927, %mul3A_926 : i32
        %get3A_929 = arith.index_cast %add3A_928 : i32 to index
        %get3A_930 = tpu.vector_load %arg7[%get3A_929] {strides = array<i32>} : memref<3072xf32, #tpu.memory_space<vmem>>, vector<16xf32>,
        %mul3A_931 = arith.mulf %get3A_930, %gather3A_751 : vector<16xf32>
        %add3A_932 = arith.addf %add3A_924, %mul3A_931 : vector<16xf32>
        %mul3A_933 = arith.constant 16 : i32
        %mul3A_934 = arith.muli %scan3A_910, %mul3A_933 : i32
        %add3A_935 = arith.constant 768 : i32
        %add3A_936 = arith.addi %add3A_935, %mul3A_934 : i32
        %get3A_937 = arith.index_cast %add3A_936 : i32 to index
        %get3A_938 = tpu.vector_load %arg7[%get3A_937] {strides = array<i32>} : memref<3072xf32, #tpu.memory_space<vmem>>, vector<16xf32>,
        %mul3A_939 = arith.mulf %get3A_938, %gather3A_756 : vector<16xf32>
        %add3A_940 = arith.addf %add3A_932, %mul3A_939 : vector<16xf32>
        %mul3A_941 = arith.constant 16 : i32
        %mul3A_942 = arith.muli %scan3A_910, %mul3A_941 : i32
        %add3A_943 = arith.constant 1024 : i32
        %add3A_944 = arith.addi %add3A_943, %mul3A_942 : i32
        %get3A_945 = arith.index_cast %add3A_944 : i32 to index
        %get3A_946 = tpu.vector_load %arg7[%get3A_945] {strides = array<i32>} : memref<3072xf32, #tpu.memory_space<vmem>>, vector<16xf32>,
        %mul3A_947 = arith.mulf %get3A_946, %gather3A_761 : vector<16xf32>
        %add3A_948 = arith.addf %add3A_940, %mul3A_947 : vector<16xf32>
        %mul3A_949 = arith.constant 16 : i32
        %mul3A_950 = arith.muli %scan3A_910, %mul3A_949 : i32
        %add3A_951 = arith.constant 1280 : i32
        %add3A_952 = arith.addi %add3A_951, %mul3A_950 : i32
        %get3A_953 = arith.index_cast %add3A_952 : i32 to index
        %get3A_954 = tpu.vector_load %arg7[%get3A_953] {strides = array<i32>} : memref<3072xf32, #tpu.memory_space<vmem>>, vector<16xf32>,
        %mul3A_955 = arith.mulf %get3A_954, %gather3A_766 : vector<16xf32>
        %add3A_956 = arith.addf %add3A_948, %mul3A_955 : vector<16xf32>
        %mul3A_957 = arith.constant 16 : i32
        %mul3A_958 = arith.muli %scan3A_910, %mul3A_957 : i32
        %add3A_959 = arith.constant 1536 : i32
        %add3A_960 = arith.addi %add3A_959, %mul3A_958 : i32
        %get3A_961 = arith.index_cast %add3A_960 : i32 to index
        %get3A_962 = tpu.vector_load %arg7[%get3A_961] {strides = array<i32>} : memref<3072xf32, #tpu.memory_space<vmem>>, vector<16xf32>,
        %mul3A_963 = arith.mulf %get3A_962, %gather3A_771 : vector<16xf32>
        %add3A_964 = arith.addf %add3A_956, %mul3A_963 : vector<16xf32>
        %mul3A_965 = arith.constant 16 : i32
        %mul3A_966 = arith.muli %scan3A_910, %mul3A_965 : i32
        %add3A_967 = arith.constant 1792 : i32
        %add3A_968 = arith.addi %add3A_967, %mul3A_966 : i32
        %get3A_969 = arith.index_cast %add3A_968 : i32 to index
        %get3A_970 = tpu.vector_load %arg7[%get3A_969] {strides = array<i32>} : memref<3072xf32, #tpu.memory_space<vmem>>, vector<16xf32>,
        %mul3A_971 = arith.mulf %get3A_970, %gather3A_776 : vector<16xf32>
        %add3A_972 = arith.addf %add3A_964, %mul3A_971 : vector<16xf32>
        %mul3A_973 = arith.constant 16 : i32
        %mul3A_974 = arith.muli %scan3A_910, %mul3A_973 : i32
        %add3A_975 = arith.constant 2048 : i32
        %add3A_976 = arith.addi %add3A_975, %mul3A_974 : i32
        %get3A_977 = arith.index_cast %add3A_976 : i32 to index
        %get3A_978 = tpu.vector_load %arg7[%get3A_977] {strides = array<i32>} : memref<3072xf32, #tpu.memory_space<vmem>>, vector<16xf32>,
        %mul3A_979 = arith.mulf %get3A_978, %gather3A_781 : vector<16xf32>
        %add3A_980 = arith.addf %add3A_972, %mul3A_979 : vector<16xf32>
        %mul3A_981 = arith.constant 16 : i32
        %mul3A_982 = arith.muli %scan3A_910, %mul3A_981 : i32
        %add3A_983 = arith.constant 2304 : i32
        %add3A_984 = arith.addi %add3A_983, %mul3A_982 : i32
        %get3A_985 = arith.index_cast %add3A_984 : i32 to index
        %get3A_986 = tpu.vector_load %arg7[%get3A_985] {strides = array<i32>} : memref<3072xf32, #tpu.memory_space<vmem>>, vector<16xf32>,
        %mul3A_987 = arith.mulf %get3A_986, %gather3A_786 : vector<16xf32>
        %add3A_988 = arith.addf %add3A_980, %mul3A_987 : vector<16xf32>
        %mul3A_989 = arith.constant 16 : i32
        %mul3A_990 = arith.muli %scan3A_910, %mul3A_989 : i32
        %add3A_991 = arith.constant 2560 : i32
        %add3A_992 = arith.addi %add3A_991, %mul3A_990 : i32
        %get3A_993 = arith.index_cast %add3A_992 : i32 to index
        %get3A_994 = tpu.vector_load %arg7[%get3A_993] {strides = array<i32>} : memref<3072xf32, #tpu.memory_space<vmem>>, vector<16xf32>,
        %mul3A_995 = arith.mulf %get3A_994, %gather3A_791 : vector<16xf32>
        %add3A_996 = arith.addf %add3A_988, %mul3A_995 : vector<16xf32>
        %mul3A_997 = arith.constant 16 : i32
        %mul3A_998 = arith.muli %scan3A_910, %mul3A_997 : i32
        %add3A_999 = arith.constant 2816 : i32
        %add3A_1000 = arith.addi %add3A_999, %mul3A_998 : i32
        %get3A_1001 = arith.index_cast %add3A_1000 : i32 to index
        %get3A_1002 = tpu.vector_load %arg7[%get3A_1001] {strides = array<i32>} : memref<3072xf32, #tpu.memory_space<vmem>>, vector<16xf32>,
        %mul3A_1003 = arith.mulf %get3A_1002, %gather3A_796 : vector<16xf32>
        %add3A_1004 = arith.addf %add3A_996, %mul3A_1003 : vector<16xf32>
        %mul3A_1005 = arith.constant 16 : i32
        %mul3A_1006 = arith.muli %scan3A_910, %mul3A_1005 : i32
        %swap3A_1007 = arith.index_cast %mul3A_1006 : i32 to index
        %swap3A_1008 = tpu.vector_load %arg8[%swap3A_1007] {strides = array<i32>} : memref<256xf32, #tpu.memory_space<vmem>>, vector<16xf32>,
        tpu.vector_store %arg8[%swap3A_1007], %add3A_1004 {strides = array<i32>} : memref<256xf32, #tpu.memory_space<vmem>>, vector<16xf32>,
        %max3A = arith.maximumf %scan3A_911, %add3A_1004 : vector<16xf32>
        scf.yield %max3A : vector<16xf32>
      }
      %scan3A_804 = arith.constant 16 : i32
      %reduce_max3A = arith.constant true
      %reduce_max3A_805 = vector.broadcast %reduce_max3A : i1 to vector<16xi1>
      %reduce_max3A_806 = tpu.scan <max>, %scan3A_803 masked %reduce_max3A_805 : vector<16xf32>, vector<16xi1> -> vector<16xf32>
      %reduce_max3A_807 = vector.extract %reduce_max3A_806[15] : f32 from vector<16xf32>
      %broadcast_in_dim3A_808 = vector.broadcast %reduce_max3A_807 : f32 to vector<16xf32>
      %broadcast_in_dim3A_809 = arith.constant 0.000000e+00 : f32
      %broadcast_in_dim3A_810 = vector.broadcast %broadcast_in_dim3A_809 : f32 to vector<16xf32>
      %scan3A_811 = arith.constant 0 : i32
      %scan3A_812 = arith.constant 16 : i32
      %scan3A_813 = arith.addi %scan3A_811, %scan3A_812 : i32
      %scan3A_814 = arith.constant 1 : i32
      %scan3A_815 = scf.for %scan3A_910 = %scan3A_811 to %scan3A_813 step %scan3A_814 iter_args(%scan3A_911 = %broadcast_in_dim3A_810) -> (vector<16xf32>)  : i32 {
        %mul3A_912 = arith.constant 16 : i32
        %mul3A_913 = arith.muli %scan3A_910, %mul3A_912 : i32
        %get3A_914 = arith.index_cast %mul3A_913 : i32 to index
        %get3A_915 = tpu.vector_load %arg8[%get3A_914] {strides = array<i32>} : memref<256xf32, #tpu.memory_space<vmem>>, vector<16xf32>,
        %sub3A_916 = arith.subf %get3A_915, %broadcast_in_dim3A_808 : vector<16xf32>
        %exp3A_917 = math.exp %sub3A_916 : vector<16xf32>
        %add3A_918 = arith.addf %scan3A_911, %exp3A_917 : vector<16xf32>
        scf.yield %add3A_918 : vector<16xf32>
      }
      %scan3A_816 = arith.constant 16 : i32
      %reduce_sum3A = arith.constant true
      %reduce_sum3A_817 = vector.broadcast %reduce_sum3A : i1 to vector<16xi1>
      %reduce_sum3A_818 = tpu.scan <sum>, %scan3A_815 masked %reduce_sum3A_817 : vector<16xf32>, vector<16xi1> -> vector<16xf32>
      %reduce_sum3A_819 = vector.extract %reduce_sum3A_818[15] : f32 from vector<16xf32>
      %broadcast_in_dim3A_820 = vector.broadcast %reduce_sum3A_819 : f32 to vector<16xf32>
      %bitcast3A_821 = vector.bitcast %broadcast_in_dim3A_820 : vector<16xf32> to vector<16xi32>
      %shift_right_arithmetic3A_822 = arith.constant 23 : i32
      %shift_right_arithmetic3A_823 = vector.broadcast %shift_right_arithmetic3A_822 : i32 to vector<16xi32>
      %shift_right_arithmetic3A_824 = arith.shrsi %bitcast3A_821, %shift_right_arithmetic3A_823 : vector<16xi32>
      %and3A_825 = arith.constant 255 : i32
      %and3A_826 = vector.broadcast %and3A_825 : i32 to vector<16xi32>
      %and3A_827 = arith.andi %shift_right_arithmetic3A_824, %and3A_826 : vector<16xi32>
      %sub3A_828 = arith.constant 127 : i32
      %sub3A_829 = vector.broadcast %sub3A_828 : i32 to vector<16xi32>
      %sub3A_830 = arith.subi %and3A_827, %sub3A_829 : vector<16xi32>
      %and3A_831 = arith.constant 8388607 : i32
      %and3A_832 = vector.broadcast %and3A_831 : i32 to vector<16xi32>
      %and3A_833 = arith.andi %bitcast3A_821, %and3A_832 : vector<16xi32>
      %or3A = arith.constant 1065353216 : i32
      %or3A_834 = vector.broadcast %or3A : i32 to vector<16xi32>
      %or3A_835 = arith.ori %and3A_833, %or3A_834 : vector<16xi32>
      %bitcast3A_836 = vector.bitcast %or3A_835 : vector<16xi32> to vector<16xf32>
      %gt3A_837 = arith.constant 1.41421354 : f32
      %gt3A_838 = vector.broadcast %gt3A_837 : f32 to vector<16xf32>
      %gt3A_839 = arith.cmpf ogt, %bitcast3A_836, %gt3A_838 : vector<16xf32>
      %mul3A_840 = arith.constant 5.000000e-01 : f32
      %mul3A_841 = vector.broadcast %mul3A_840 : f32 to vector<16xf32>
      %mul3A_842 = arith.mulf %mul3A_841, %bitcast3A_836 : vector<16xf32>
      %select_n3A_843 = arith.select %gt3A_839, %mul3A_842, %bitcast3A_836 : vector<16xi1>, vector<16xf32>
      %jit3A_844 = arith.constant 1 : i32
      %jit3A_845 = arith.constant 0 : i32
      %broadcast_in_dim3A_846 = vector.broadcast %jit3A_844 : i32 to vector<16xi32>
      %broadcast_in_dim3A_847 = vector.broadcast %jit3A_845 : i32 to vector<16xi32>
      %select_n3A_848 = arith.select %gt3A_839, %broadcast_in_dim3A_846, %broadcast_in_dim3A_847 : vector<16xi1>, vector<16xi32>
      %add3A_849 = arith.addi %sub3A_830, %select_n3A_848 : vector<16xi32>
      %sub3A_850 = arith.constant 1.000000e+00 : f32
      %sub3A_851 = vector.broadcast %sub3A_850 : f32 to vector<16xf32>
      %sub3A_852 = arith.subf %select_n3A_843, %sub3A_851 : vector<16xf32>
      %add3A_853 = arith.constant 1.000000e+00 : f32
      %add3A_854 = vector.broadcast %add3A_853 : f32 to vector<16xf32>
      %add3A_855 = arith.addf %select_n3A_843, %add3A_854 : vector<16xf32>
      %div3A_856 = arith.divf %sub3A_852, %add3A_855 : vector<16xf32>
      %mul3A_857 = arith.mulf %div3A_856, %div3A_856 : vector<16xf32>
      %mul3A_858 = arith.constant 2.000000e+00 : f32
      %mul3A_859 = vector.broadcast %mul3A_858 : f32 to vector<16xf32>
      %mul3A_860 = arith.mulf %mul3A_859, %div3A_856 : vector<16xf32>
      %mul3A_861 = arith.constant 0.111111112 : f32
      %mul3A_862 = vector.broadcast %mul3A_861 : f32 to vector<16xf32>
      %mul3A_863 = arith.mulf %mul3A_857, %mul3A_862 : vector<16xf32>
      %add3A_864 = arith.constant 0.142857149 : f32
      %add3A_865 = vector.broadcast %add3A_864 : f32 to vector<16xf32>
      %add3A_866 = arith.addf %add3A_865, %mul3A_863 : vector<16xf32>
      %mul3A_867 = arith.mulf %mul3A_857, %add3A_866 : vector<16xf32>
      %add3A_868 = arith.constant 2.000000e-01 : f32
      %add3A_869 = vector.broadcast %add3A_868 : f32 to vector<16xf32>
      %add3A_870 = arith.addf %add3A_869, %mul3A_867 : vector<16xf32>
      %mul3A_871 = arith.mulf %mul3A_857, %add3A_870 : vector<16xf32>
      %add3A_872 = arith.constant 0.333333343 : f32
      %add3A_873 = vector.broadcast %add3A_872 : f32 to vector<16xf32>
      %add3A_874 = arith.addf %add3A_873, %mul3A_871 : vector<16xf32>
      %mul3A_875 = arith.mulf %mul3A_857, %add3A_874 : vector<16xf32>
      %add3A_876 = arith.constant 1.000000e+00 : f32
      %add3A_877 = vector.broadcast %add3A_876 : f32 to vector<16xf32>
      %add3A_878 = arith.addf %add3A_877, %mul3A_875 : vector<16xf32>
      %mul3A_879 = arith.mulf %mul3A_860, %add3A_878 : vector<16xf32>
      %convert_element_type3A = arith.sitofp %add3A_849 : vector<16xi32> to vector<16xf32>
      %mul3A_880 = arith.constant 0.693147182 : f32
      %mul3A_881 = vector.broadcast %mul3A_880 : f32 to vector<16xf32>
      %mul3A_882 = arith.mulf %convert_element_type3A, %mul3A_881 : vector<16xf32>
      %add3A_883 = arith.addf %mul3A_882, %mul3A_879 : vector<16xf32>
      %broadcast_in_dim3A_884 = vector.broadcast %scan3A_118 : i32 to vector<16xi32>
      %broadcast_in_dim3A_885 = vector.shape_cast %broadcast_in_dim3A_884 : vector<16xi32> to vector<16x1xi32>
      %gather3A_886 = vector.shape_cast %broadcast_in_dim3A_885 : vector<16x1xi32> to vector<16xi32>
      %gather3A_887 = tpu.dynamic_gather %get3A_110[%gather3A_886] in [0] : vector<16xf32>, vector<16xi32> -> vector<16xf32>
      %bitcast3A_888 = vector.bitcast %gather3A_887 : vector<16xf32> to vector<16xi32>
      %gather3A_889 = tpu.vector_load_idx %arg8[%bitcast3A_888] : memref<256xf32, #tpu.memory_space<vmem>>[vector<16xi32>], vector<16xf32>,
      %sub3A_890 = arith.subf %gather3A_889, %broadcast_in_dim3A_808 : vector<16xf32>
      %sub3A_891 = arith.subf %sub3A_890, %add3A_883 : vector<16xf32>
      %mul3A_892 = arith.constant 5.000000e-01 : f32
      %mul3A_893 = vector.broadcast %mul3A_892 : f32 to vector<16xf32>
      %mul3A_894 = arith.mulf %mul3A_893, %sub3A_891 : vector<16xf32>
      %add3A_895 = arith.addf %scan3A_119, %mul3A_894 : vector<16xf32>
      %mul3A_896 = arith.constant 12 : i32
      %mul3A_897 = vector.broadcast %mul3A_896 : i32 to vector<16xi32>
      %mul3A_898 = arith.muli %bitcast3A_888, %mul3A_897 : vector<16xi32>
      %add3A_899 = arith.constant 3072 : i32
      %add3A_900 = vector.broadcast %add3A_899 : i32 to vector<16xi32>
      %add3A_901 = arith.addi %add3A_900, %mul3A_898 : vector<16xi32>
      %add3A_902 = arith.addi %add3A_901, %select_n3A_87 : vector<16xi32>
      %gather3A_903 = tpu.vector_load_idx %arg6[%add3A_902] : memref<6144xf32, #tpu.memory_space<vmem>>[vector<16xi32>], vector<16xf32>,
      %mul3A_904 = arith.constant 12 : i32
      %mul3A_905 = arith.muli %scan3A_118, %mul3A_904 : i32
      %add3A_906 = arith.constant 96 : i32
      %add3A_907 = arith.addi %add3A_906, %mul3A_905 : i32
      %add3A_908 = vector.broadcast %add3A_907 : i32 to vector<16xi32>
      %add3A_909 = arith.addi %add3A_908, %select_n3A_87 : vector<16xi32>
      tpu.vector_store_idx %arg5[%add3A_909], %gather3A_903 masked %lt3A_27 : memref<4440xf32, #tpu.memory_space<vmem>>[vector<16xi32>], vector<16xf32>, vector<16xi1>
      scf.yield %add3A_895 : vector<16xf32>
    }
    %scan3A_116 = arith.constant 8 : i32
    %swap3A = arith.constant 192 : index
    %swap3A_117 = tpu.vector_load %arg5[%swap3A] {strides = array<i32>} : memref<4440xf32, #tpu.memory_space<vmem>>, vector<16xf32>,
    tpu.vector_store %arg5[%swap3A], %scan3A_115 {strides = array<i32>} : memref<4440xf32, #tpu.memory_space<vmem>>, vector<16xf32>,
    "tpu.region"() ({
      %run_scoped3A = tpu.sem_alloc : memref<!tpu.dma_semaphore, #tpu.memory_space<semaphore_mem>>
      %dma_start3A = arith.constant 0 : i32
      %dma_start3A_118 = tpu.memref_slice %arg5[%dma_start3A] : memref<4440xf32, #tpu.memory_space<vmem>> -> memref<208xf32, #tpu.memory_space<vmem>>
      %dma_start3A_119 = arith.constant 0 : i32
      %dma_start3A_120 = tpu.memref_slice %arg5[%dma_start3A_119] : memref<4440xf32, #tpu.memory_space<vmem>> -> memref<208xf32, #tpu.memory_space<vmem>>
      tpu.enqueue_dma source(%dma_start3A_120 : memref<208xf32, #tpu.memory_space<vmem>>) target(%arg4 : memref<208xf32, #tpu.memory_space<hbm>>) target_semaphore(%run_scoped3A : memref<!tpu.dma_semaphore, #tpu.memory_space<semaphore_mem>>)
      %dma_wait3A = arith.constant 0 : i32
      %dma_wait3A_121 = tpu.memref_slice %arg5[%dma_wait3A] : memref<4440xf32, #tpu.memory_space<vmem>> -> memref<208xf32, #tpu.memory_space<vmem>>
      %dma_wait3A_122 = arith.constant 0 : i32
      %dma_wait3A_123 = tpu.memref_slice %arg5[%dma_wait3A_122] : memref<4440xf32, #tpu.memory_space<vmem>> -> memref<208xf32, #tpu.memory_space<vmem>>
      tpu.wait_dma2 semaphore(%run_scoped3A : memref<!tpu.dma_semaphore, #tpu.memory_space<semaphore_mem>>) src(%dma_wait3A_123 : memref<208xf32, #tpu.memory_space<vmem>>) dst(%arg4 : memref<208xf32, #tpu.memory_space<hbm>>)
      tpu.yield
    }) : () -> ()
    return
  }
}

</mosaic_0001>

<sc_bundles>
// kernel: kernel.3.cloned.1.call-start
scs
__scs_entry_jumppad:
0x0: {  	(pc) =	sbr.rel $0x88, $3  }
0x1: {  	(tag) =	ssettag $0x0;
	lr =	simm.s32 $0x1  }
0x2: {  	[smem:$0x3F98] =	sst lr;
	_ =	strace $0xD0000000  }
0x3: {  	_ = 	snop  }
0x4: {  	_ = 	snop  }
0x5: {  	_ = 	snop  }
0x6: {  	_ = 	snop  }
0x7: {  	_ = 	snop  }
__scs_overlays_trampoline_lowered:
0x8: {  	[smem:$0x3FA7] =	sst s0  }
0x9: {  	[smem:$0x3FA8] =	sst s1  }
0xa: {  	[smem:$0x3FA9] =	sst s2  }
0xb: {  	[smem:$0x3FAA] =	sst s3  }
0xc: {  	[smem:$0x3FAB] =	sst s4  }
0xd: {  	[smem:$0x3FAC] =	sst s5  }
0xe: {  	[smem:$0x3FAD] =	sst s6  }
0xf: {  	[smem:$0x3FAE] =	sst s7  }
0x10: {  	[smem:$0x3FAF] =	sst s8  }
0x11: {  	[smem:$0x3FB0] =	sst s9;
	s0 =	simm.s32 @!p0 $0x0  }
0x12: {  	s1 =	sld [smem:$0x3F96];
	s0 =	simm.s32 @p0 $0x1  }
0x13: {  	[smem:$0x3FB1] =	sst s0;
	s0 =	simm.s32 @!p1 $0x0  }
0x14: {  	s2 =	sld [smem:$0x3F95];
	s0 =	simm.s32 @p1 $0x1  }
0x15: {  	[smem:$0x3FB2] =	sst s0;
	s0 =	simm.s32 @!p2 $0x0  }
0x16: {  	s3 =	sld [smem:$0x3FDB];
	s0 =	simm.s32 @p2 $0x1  }
0x17: {  	s4 =	simm.s32 $0x1BF5;
	[smem:$0x3FB4] =	sst s0  }
0x18: {  	s0 =	sld [smem:$0x3F97];
	_ =	swait.ge [sflag:s4], $0x0  }
0x19: {  	s7 =	sld [smem:$0x3F98]  }
0x1a: {  	s8 =	sadd.s32 $0xFFFFE003, lr  }
0x1b: {  	s9 =	sadd.s32 $0xFFFFFEF7, lr;
	s5 =	simm.s32 $0xFFFFFFFF;
	p2 =	slt.u32 s8, $0xFFFFF086  }
0x1c: {  	p1 =	slt.u32 s9, $0xF7A;
	s5 =	simm.s32 @!p2 $0x0  }
0x1d: {  	s5 =	simm.s32 @p1 $0x1;
	p0 =	seq.s32 s7, s2  }
0x1e: {  	s7 =	smul.u32 @!p0 $0xF7A, s2;
	p2 =	seq.s32 @!p0 s5, $0x0  }
0x1f: {  	s9 =	smul.u32 $0xF7A, s1;
	s8 =	simm.s32 @!p0 $0x1BF5;
	p2 =	por !p2, p0  }
0x20: {  	[sflag:s8] =	ssyncset.s32 @!p0 $0xFFFFF086;
	s6 =	sadd.s32 @!p0 s3, s7;
	s7 =	simm.s32 @!p0 $0x108  }
0x21: {  	s3 =	sadd.s32 s3, s9;
	s6 =	sadd.s32 @!p0 $0x88, s6;
	s7 =	simm.s32 @p2 $0x1082  }
0x22: {  	[simem:s7], [sflag:s8] =	dma.local @!p0 [hbm:s6], $0xF7A  }
0x23: {  	s9 =	sor.u32 $0xD0000000, s2;
	s6 =	simm.s32 $0x108;
	_ =	swait.ge @!p0 [sflag:s8], $0x0  }
0x24: {  	s3 =	sadd.s32 $0x88, s3;
	s6 =	simm.s32 @!p1 $0x1082;
	[sflag:s4] =	ssyncset.s32 $0xFFFFF086  }
0x25: {  	[simem:s6], [sflag:s4] =	dma.local [hbm:s3], $0xF7A  }
0x26: {  	[smem:$0x3F98] =	sst s1;
	(tag) =	ssettag s2;
	_ =	strace s9  }
0x27: {  	s1 =	sld [smem:$0x3FA8]  }
0x28: {  	s2 =	sld [smem:$0x3FA9]  }
0x29: {  	s4 =	sld [smem:$0x3FAB]  }
0x2a: {  	p0 =	seq.s32 s5, $0x0;
	s5 =	sld [smem:$0x3FAC]  }
0x2b: {  	s6 =	sld [smem:$0x3FAD]  }
0x2c: {  	s7 =	sld [smem:$0x3FAE]  }
0x2d: {  	s3 =	simm.s32 $0x108;
	s8 =	sld [smem:$0x3FAF]  }
0x2e: {  	s3 =	simm.s32 @!p0 $0x1082;
	s9 =	sld [smem:$0x3FB0]  }
0x2f: {  	lr =	sadd.s32 s0, s3;
	s0 =	sld [smem:$0x3FA7]  }
0x30: {  	s3 =	sld [smem:$0x3FAA]  }
0x31: {  	[smem:$0x3FB3] =	sst s10  }
0x32: {  	s10 =	sld [smem:$0x3FB1];
	_ =	sdelay $0x3  }
0x33: {  	p0 =	seq.s32 s10, $0x1;
	s10 =	sld [smem:$0x3FB3];
	_ =	sdelay $0x3  }
0x34: {  	[smem:$0x3FB3] =	sst s10  }
0x35: {  	s10 =	sld [smem:$0x3FB2];
	_ =	sdelay $0x3  }
0x36: {  	p1 =	seq.s32 s10, $0x1;
	s10 =	sld [smem:$0x3FB3];
	_ =	sdelay $0x3  }
0x37: {  	[smem:$0x3FB3] =	sst s10  }
0x38: {  	s10 =	sld [smem:$0x3FB4]  }
0x39: {  	_ = 	snop;
	(pc) =	sbr.ind lr, $3  }
0x3a: {  	_ = 	snop  }
0x3b: {  	_ = 	snop  }
0x3c: {  	p2 =	seq.s32 s10, $0x1;
	s10 =	sld [smem:$0x3FB3]  }
0x3d: {  	_ =	shalt  }
0x3e: {  	_ =	shalt  }
0x3f: {  	_ =	shalt  }
0x40: {  	_ =	shalt  }
0x41: {  	_ =	shalt  }
0x42: {  	_ =	shalt  }
0x43: {  	_ =	shalt  }
0x44: {  	_ =	shalt  }
0x45: {  	_ =	shalt  }
0x46: {  	_ =	shalt  }
0x47: {  	_ =	shalt  }
0x48: {  	_ =	shalt  }
0x49: {  	_ =	shalt  }
0x4a: {  	_ =	shalt  }
0x4b: {  	_ =	shalt  }
0x4c: {  	_ =	shalt  }
0x4d: {  	_ =	shalt  }
0x4e: {  	_ =	shalt  }
0x4f: {  	_ =	shalt  }
0x50: {  	_ =	shalt  }
0x51: {  	_ =	shalt  }
0x52: {  	_ =	shalt  }
0x53: {  	_ =	shalt  }
0x54: {  	_ =	shalt  }
0x55: {  	_ =	shalt  }
0x56: {  	_ =	shalt  }
0x57: {  	_ =	shalt  }
0x58: {  	_ =	shalt  }
0x59: {  	_ =	shalt  }
0x5a: {  	_ =	shalt  }
0x5b: {  	_ =	shalt  }
0x5c: {  	_ =	shalt  }
0x5d: {  	_ =	shalt  }
0x5e: {  	_ =	shalt  }
0x5f: {  	_ =	shalt  }
0x60: {  	_ =	shalt  }
0x61: {  	_ =	shalt  }
0x62: {  	_ =	shalt  }
0x63: {  	_ =	shalt  }
0x64: {  	_ =	shalt  }
0x65: {  	_ =	shalt  }
0x66: {  	_ =	shalt  }
0x67: {  	_ =	shalt  }
0x68: {  	_ =	shalt  }
0x69: {  	_ =	shalt  }
0x6a: {  	_ =	shalt  }
0x6b: {  	_ =	shalt  }
0x6c: {  	_ =	shalt  }
0x6d: {  	_ =	shalt  }
0x6e: {  	_ =	shalt  }
0x6f: {  	_ =	shalt  }
0x70: {  	_ =	shalt  }
0x71: {  	_ =	shalt  }
0x72: {  	_ =	shalt  }
0x73: {  	_ =	shalt  }
0x74: {  	_ =	shalt  }
0x75: {  	_ =	shalt  }
0x76: {  	_ =	shalt  }
0x77: {  	_ =	shalt  }
0x78: {  	_ =	shalt  }
0x79: {  	_ =	shalt  }
0x7a: {  	_ =	shalt  }
0x7b: {  	_ =	shalt  }
0x7c: {  	_ =	shalt  }
0x7d: {  	_ =	shalt  }
0x7e: {  	_ =	shalt  }
0x7f: {  	_ =	shalt  }
0x80: {  	_ =	shalt  }
0x81: {  	_ =	shalt  }
0x82: {  	_ =	shalt  }
0x83: {  	_ =	shalt  }
0x84: {  	_ =	shalt  }
0x85: {  	_ =	shalt  }
0x86: {  	_ =	shalt  }
0x87: {  	_ =	shalt  }
.Lfunc_end0:
.L_simem_size_0:
called_computation_lowered:
.L_overlay_start_0:
0x88: {  	s0 =	sld [smem:$0x3FD9]  }
0x89: {  	s1 =	sld [smem:$0x3FFE];
	_ =	sdelay $0x3  }
0x8a: {  	s0 =	sadd.s32 s1, s0  }
0x8b: {  	[smem:$0x3FBF] =	sst s0  }
0x8c: {  	_ = 	snop  }
0x8d: {  	(tm) =	ssettm $0x1  }
0x8e: {  	s15 =	sld [smem:$0x3FFB];
	_ =	sdelay $0x3  }
0x8f: {  	_ =	strace s15  }
0x90: {  	s0 =	sld [smem:$0x3FFC];
	_ =	sdelay $0x3  }
0x91: {  	_ =	strace s0  }
0x92: {  	s0 =	sld [smem:$0x3FFD];
	_ =	sdelay $0x3  }
0x93: {  	_ =	strace s0  }
0x94: {  	_ =	strace $0x8FFFFFFF  }
0x95: {  	s16 =	sld [smem:$0x3FDB];
	_ =	sdelay $0x1  }
0x96: {  	s17 =	simm.s32 $_scs_section_size  }
0x97: {  	s2 =	simm.s32 $_size__tile_overlayer_lowered;
	s3 =	simm.s32 $_tile_overlayer_lowered  }
0x98: {  	s20 =	simm.s32 $0x1BFF;
	s19 =	sshll.u32 s3, $0x1;
	s0 =	sadd.s32 s17, s16  }
0x99: {  	s4 =	simm.s32 $0x0;
	s18 =	sshll.u32 s2, $0x1;
	s2 =	sadd.s32 s19, s0  }
0x9a: {  	[timem:s4], [sflag:s20] =	dma.local [hbm:s2], s18  }
0x9b: {  	_ =	swait.ge [sflag:s20], s18  }
0x9c: {  	s1 =	ssub.s32 $0x0, s18;
	[sflag:s20] =	ssyncset.done $0x0  }
0x9d: {  	[sflag:s20] =	ssyncadd.s32 s1;
	_ =	sdelay $0x1  }
0x9e: {  	s21 =	simm.s32 $0x1B8B  }
0x9f: {  	_ =	swait.ge [sflag:s21], $0x1  }
0xa0: {  	[sflag:s21] =	ssyncset.done $0x0  }
0xa1: {  	s23 =	simm.s32 $0x1B8E;
	s22 =	sld [smem:$0x3FFE];
	[sflag:s21] =	ssyncadd.s32 $0xFFFFFFFF  }
0xa2: {  	s24 =	simm.s32 $execute0_lowered;
	[smem:$0x3FD2] =	sst s23  }
0xa3: {  	s2 =	sshll.u32 s24, $0x1;
	_ =	strace $0x80000046;
	[dreg:$0x1] =	wrdreg $0xFFFFFFFF  }
0xa4: {  	s25 =	simm.s32 $_size_execute0_lowered;
	s0 =	sadd.s32 s0, s2;
	[dreg:$0x0] =	wrdreg $0x0  }
0xa5: {  	s2 =	sshll.u32 s25, $0x1;
	[dreg:$0x2] =	wrdreg s0  }
0xa6: {  	[dreg:$0x3] =	wrdreg s2  }
0xa7: {  	[dreg:$0x4] =	wrdreg $0xC0  }
0xa8: {  	_ =	task [dreg:s4], $0x5FFFF  }
0xa9: {  	[dreg:$0x1] =	wrdreg $0xFFFFFFFF  }
0xaa: {  	[dreg:$0x0] =	wrdreg $0x60  }
0xab: {  	[dreg:$0x2] =	wrdreg s22  }
0xac: {  	[dreg:$0x3] =	wrdreg $0x9  }
0xad: {  	_ =	task.clear_ibuf [dreg:s4], $0x4FFFF;
	_ =	strace $0x90000046  }
0xae: {  	s26 =	simm.s32 $0x9;
	_ =	strace $0x80000048  }
0xaf: {  	_ =	swait.ge [sflag:s26], $0x1  }
0xb0: {  	[sflag:s26] =	ssyncadd.s32 $0xFFFFFFFF  }
0xb1: {  	_ =	strace $0x90000048  }
0xb2: {  	_ =	sfence  }
0xb3: {  	s28 =	sld [smem:$0x0];
	_ =	sdelay $0x1  }
0xb4: {  	s29 =	srdreg.scid  }
0xb5: {  	s30 =	sshll.u32 s29, $0xD;
	s31 =	sshrl.u32 s29, $0x2  }
0xb6: {  	s1 =	sand.u32 $0x1, s29;
	s2 =	sand.u32 $0x4000, s30;
	s0 =	sadd.s32 s31, s28  }
0xb7: {  	s1 =	sor.u32 s2, s1;
	s0 =	sshll.u32 s0, $0x11  }
0xb8: {  	s0 =	sor.u32 s0, s1  }
0xb9: {  	s0 =	sadd.s32 $0x8F2B, s0  }
0xba: {  	[sflag:s0] =	ssyncadd.remote.s32 $0x1  }
0xbb: {  	_ =	sfence.sel $0xFFFF  }
0xbc: {  	[dreg:$0x0] =	wrdreg $0xFFFFFFFF;
	(pc) =	sbr.abs _section_cstart, $3  }
0xbd: {  	[dreg:$0x1] =	wrdreg $0xFFFFFFFF  }
0xbe: {  	_ =	task.clear_ibuf [dreg:s4], $0x2FFFF;
	_ =	strace $0x9FFFFFFF  }
0xbf: {  	(tm) =	ssettm $0x7FFFFFFF  }
tec
execute0_lowered:
.L_overlay_start_1:
0x0: {  	(tag) =	ssettag $0x1  }
0x1: {  	s2 =	stileid.u32  }
0x2: {  	p0 =	sne.s32 s2, $0x0  }
.Ltmp0:
0x3: {  	_ = 	snop;
	(pc) =	sbr.rel @p0 .LBB2_10-.Ltmp0, $3  }
0x4: {  	_ =	sdelay $0x1  }
0x5: {  	s1 =	rddreg [dreg:$0x0]  }
0x6: {  	s0 =	rddreg [dreg:$0x1];
	_ =	strace $0x80000047  }
0x7: {  	v0 =	vimm.s32 $0x88444CC8  }
0x8: {  	v0 =	vunpack.c.l.s4.s8 v0  }
0x9: {  	s3 =	sadd.s32 $0x1800, s1;
	s2 =	simm.s32 $0x0;
	s28 =	sadd.s32 $0x1C00, s1  }
0xa: {  	[tilespmem:s2], [sflag:$0x1] =	stream.linear.gather [hbm4b:s3+s2], $0x1180, $0x38;
	v0 =	vunpack.c.0.s8.s32 v0;
	[tilespmem:$0x3880] =	vst v63  }
0xb: {  	s4 =	simm.s32 $0x1180;
	s29 =	sand.u32 $0x3, s2;
	s30 =	sand.u32 $0x30, s2  }
0xc: {  	vm0 =	vcmask $0x2B0C;
	[tilespmem:s4], [sflag:$0x1] =	stream.linear.gather [hbm4b:s28+s2], $0x1800, $0x38;
	v0 =	vand.u32 $0xF, v0;
	[tilespmem:$0x3880] =	vst v63  }
0xd: {  	s5 =	simm.s32 $0x1;
	s4 =	sor.u32 s29, s30;
	v0 =	vnsel vm0, $0x0, v0;
	vm0 =	vcmask $0x2F2C  }
0xe: {  	_ =	swait.ge [sflag:s5], $0x1180;
	s3 =	sadd.s32 $0xD0, s4;
	v0 =	vsel vm0, $0xC, v0  }
0xf: {  	[sflag:s5] =	ssyncset.done $0x0;
	v1 =	vor.u32 s3, v0  }
0x10: {  	[sflag:s5] =	ssyncadd.s32 $0xFFFFEE80  }
0x11: {  	_ =	swait.ge [sflag:s5], $0x1800  }
0x12: {  	[sflag:s5] =	ssyncset.done $0x0  }
0x13: {  	[sflag:s5] =	ssyncadd.s32 $0xFFFFE800  }
0x14: {  	s6 =	sor.u32 $0x100, s4;
	v2 =	vld.idx.msk [tilespmem:v1+s2+$0x0], $0xffff  }
0x15: {  	v1 =	vor.u32 s6, v0;
	_ =	sdelay $0x1  }
0x16: {  	s1 =	sadd.s32 $0x2000, s1  }
0x17: {  	s31 =	simm.s32 $0x1;
	s4 =	simm.s32 $0x4;
	s3 =	simm.s32 $0x3740  }
0x18: {  	s7 =	sand.u32 $0x30, s4;
	s5 =	simm.s32 $0x2;
	s6 =	sand.u32 $0x3, s31;
	[tilespmem:s3+$0xFFFFFF40] =	vst v2  }
.LBB2_2:
0x19: {  	p1 =	sne.s32 s5, $0xB;
	s6 =	sor.u32 s6, s7;
	v1 =	vld.idx.msk [tilespmem:v1+s2+$0x0], $0xffff  }
0x1a: {  	s7 =	sadd.s32 $0xD0, s6  }
0x1b: {  	v2 =	vor.u32 s7, v0;
	_ =	sdelay $0x3  }
0x1c: {  	[tilespmem:s3+$0x0] =	vst v1  }
0x1d: {  	v2 =	vld.idx.msk [tilespmem:v2+s2+$0x0], $0xffff  }
0x1e: {  	s6 =	sor.u32 $0x100, s6  }
.Ltmp1:
0x1f: {  	v1 =	vor.u32 s6, v0;
	(pc) =	sbr.rel @p1 .LBB2_2-.Ltmp1, $3  }
0x20: {  	_ =	sdelay $0x1  }
0x21: {  	s4 =	sadd.s32 $0x4, s4;
	s3 =	sadd.s32 $0x10, s3  }
0x22: {  	s7 =	sand.u32 $0x30, s4;
	s6 =	sand.u32 $0x3, s5;
	s5 =	sadd.s32 $0x1, s5;
	[tilespmem:s3+$0xFFFFFF40] =	vst v2  }
0x23: {  	_ =	sdelay $0x2  }
0x24: {  	s4 =	sor.u32 s6, s7  }
0x25: {  	v1 =	vld.idx.msk [tilespmem:v1+s2+$0x0], $0xffff;
	s5 =	sadd.s32 $0xD0, s4  }
0x26: {  	v2 =	vor.u32 s5, v0;
	_ =	sdelay $0x3  }
0x27: {  	[tilespmem:s3+$0x0] =	vst v1  }
0x28: {  	s4 =	sor.u32 $0x100, s4;
	v1 =	vld.idx.msk [tilespmem:v2+s2+$0x0], $0xffff  }
0x29: {  	v0 =	vor.u32 s4, v0;
	_ =	sdelay $0x2  }
0x2a: {  	s30 =	sadd.s32 $0x10, s3;
	vm1 =	vcmask $0x170C;
	v2 =	vimm.s32 $0x130  }
0x2b: {  	vm2 =	vcmask $0x2318;
	[tilespmem:s30+$0xFFFFFF40] =	vst v1;
	v1 =	vsel vm1, $0x131, v2  }
0x2c: {  	vm3 =	vcmask $0x2F24;
	v0 =	vld.idx.msk [tilespmem:v0+s2+$0x0], $0xffff;
	v1 =	vsel vm2, $0x132, v1  }
0x2d: {  	v1 =	vsel vm3, $0x133, v1;
	_ =	sdelay $0x2  }
0x2e: {  	v2 =	vimm.s32 $0x13C  }
0x2f: {  	s2 =	simm.s32 $0x0;
	[tilespmem:s30+$0x0] =	vst v0;
	v0 =	vsel vm1, $0x13D, v2  }
0x30: {  	v1 =	vld.idx.msk [tilespmem:v1+s2+$0x0], $0xffff;
	v0 =	vsel vm2, $0x13E, v0  }
0x31: {  	v0 =	vsel vm3, $0x13F, v0;
	_ =	sdelay $0x2  }
0x32: {  	v2 =	vimm.s32 $0x134  }
0x33: {  	[tilespmem:$0x3800] =	vst v1;
	v1 =	vsel vm1, $0x135, v2  }
0x34: {  	v0 =	vld.idx.msk [tilespmem:v0+s2+$0x0], $0xffff;
	v1 =	vsel vm2, $0x136, v1  }
0x35: {  	v1 =	vsel vm3, $0x137, v1;
	_ =	sdelay $0x2  }
0x36: {  	v2 =	vimm.s32 $0x140  }
0x37: {  	[tilespmem:$0x3830] =	vst v0;
	v0 =	vsel vm1, $0x141, v2  }
0x38: {  	v1 =	vld.idx.msk [tilespmem:v1+s2+$0x0], $0xffff;
	v0 =	vsel vm2, $0x142, v0  }
0x39: {  	v0 =	vsel vm3, $0x143, v0;
	_ =	sdelay $0x2  }
0x3a: {  	v2 =	vimm.s32 $0x138  }
0x3b: {  	[tilespmem:$0x3810] =	vst v1;
	v1 =	vsel vm1, $0x139, v2  }
0x3c: {  	v0 =	vld.idx.msk [tilespmem:v0+s2+$0x0], $0xffff;
	v1 =	vsel vm2, $0x13A, v1  }
0x3d: {  	v1 =	vsel vm3, $0x13B, v1;
	_ =	sdelay $0x2  }
0x3e: {  	v2 =	vimm.s32 $0x144  }
0x3f: {  	[tilespmem:$0x3840] =	vst v0;
	v0 =	vsel vm1, $0x145, v2  }
0x40: {  	v1 =	vld.idx.msk [tilespmem:v1+s2+$0x0], $0xffff;
	v0 =	vsel vm2, $0x146, v0  }
0x41: {  	v0 =	vsel vm3, $0x147, v0;
	_ =	sdelay $0x3  }
0x42: {  	[tilespmem:$0x3820] =	vst v1  }
0x43: {  	v3 =	vld.idx.msk [tilespmem:v0+s2+$0x0], $0xffff;
	_ =	sdelay $0x4  }
0x44: {  	s4 =	simm.s32 $0x1780;
	v0 =	vlaneseq.u32;
	[tilespmem:$0x3850] =	vst v3  }
0x45: {  	v0 =	vmul.u32 $0x10, v0;
	v21 =	vld [tilespmem:s4+$0x0]  }
0x46: {  	s31 =	simm.s32 $0x158;
	v45 =	vld [tilespmem:s4+$0xFFFFFF00]  }
0x47: {  	v1 =	vor.u32 $0xF, v0;
	v17 =	vadd.s32 s31, v0;
	v9 =	vld [tilespmem:s4+$0x300]  }
0x48: {  	v2 =	vor.u32 $0x5, v0;
	v5 =	vadd.s32 s31, v1;
	v27 =	vld [tilespmem:s4+$0xFFFFFE00]  }
0x49: {  	v4 =	vor.u32 $0xA, v0;
	v7 =	vadd.s32 s31, v2;
	v34 =	vld [tilespmem:s4+$0xFFFFFC00]  }
0x4a: {  	v6 =	vor.u32 $0x7, v0;
	v10 =	vadd.s32 s31, v4;
	v35 =	vld [tilespmem:s4+$0xFFFFFB00]  }
0x4b: {  	v11 =	vadd.s32 s31, v6;
	v3 =	vor.u32 $0xB, v0;
	v39 =	vld [tilespmem:s4+$0xFFFFFA00]  }
0x4c: {  	v8 =	vadd.s32 s31, v3;
	v38 =	vld.idx.msk [tilespmem:v17+s2+$0x0], $0xffff  }
0x4d: {  	v5 =	vld.idx.msk [tilespmem:v5+s2+$0x0], $0xffff  }
0x4e: {  	v20 =	vld.idx.msk [tilespmem:v7+s2+$0x0], $0xffff;
	v7 =	vor.u32 $0x6, v0  }
0x4f: {  	v22 =	vld.idx.msk [tilespmem:v10+s2+$0x0], $0xffff;
	v10 =	vor.u32 $0x2, v0;
	v12 =	vadd.s32 s31, v7  }
0x50: {  	v28 =	vld.idx.msk [tilespmem:v11+s2+$0x0], $0xffff;
	v11 =	vor.u32 $0x3, v0;
	v29 =	vadd.s32 s31, v10  }
0x51: {  	v32 =	vadd.s32 s31, v11;
	v19 =	vld.idx.msk [tilespmem:v8+s2+$0x0], $0xffff;
	v8 =	vor.u32 $0x4, v0  }
0x52: {  	v16 =	vor.u32 $0xE, v0;
	v14 =	vld [tilespmem:s4+$0x500];
	v18 =	vadd.s32 s31, v8  }
0x53: {  	v13 =	vor.u32 $0x8, v0;
	v15 =	vor.u32 $0x9, v0;
	v41 =	vadd.s32 s31, v16;
	v23 =	vld [tilespmem:s4+$0xFFFFFD00]  }
0x54: {  	v43 =	vadd.s32 s31, v13;
	v44 =	vmul.f32 v39, v38;
	v51 =	vmul.f32 v35, v38;
	v30 =	vld.idx.msk [tilespmem:v12+s2+$0x0], $0xffff  }
0x55: {  	v38 =	vmul.f32 v34, v38;
	v24 =	vmul.f32 v27, v28;
	v12 =	vor.u32 $0x1, v0;
	v46 =	vld.idx.msk [tilespmem:v29+s2+$0x0], $0xffff  }
0x56: {  	v26 =	vmul.f32 v45, v28;
	v54 =	vmul.f32 v9, v5;
	v48 =	vld.idx.msk [tilespmem:v32+s2+$0x0], $0xffff;
	v37 =	vadd.s32 s31, v12  }
0x57: {  	v17 =	vor.u32 $0xC, v0;
	v25 =	vmul.f32 v14, v5;
	v33 =	vmul.f32 v27, v20;
	v40 =	vld.idx.msk [tilespmem:v18+s2+$0x0], $0xffff  }
0x58: {  	v60 =	vadd.s32 s31, v17;
	v28 =	vmul.f32 v23, v28;
	v29 =	vld.idx.msk [tilespmem:v41+s2+$0x0], $0xffff;
	v49 =	vmul.f32 v21, v19  }
0x59: {  	v50 =	vadd.s32 s31, v15;
	v42 =	vmul.f32 v23, v30;
	v31 =	vmul.f32 v45, v30  }
0x5a: {  	v32 =	vld [tilespmem:s4+$0x100];
	v18 =	vor.u32 $0xD, v0;
	v36 =	vmul.f32 v27, v30;
	v30 =	vmul.f32 v21, v22  }
0x5b: {  	v53 =	vadd.s32 s31, v18;
	v47 =	vmul.f32 v39, v46;
	v62 =	vmul.f32 v39, v48;
	v52 =	vld.idx.msk [tilespmem:v37+s2+$0x0], $0xffff  }
0x5c: {  	v41 =	vmul.f32 v34, v48;
	v55 =	vmul.f32 v27, v40;
	v27 =	vld.idx.msk [tilespmem:v43+s2+$0x0], $0xffff  }
0x5d: {  	v57 =	vmul.f32 v9, v29;
	v37 =	vmul.f32 v35, v48;
	v56 =	vadd.f32 v42, v47;
	v42 =	vld.idx.msk [tilespmem:v60+s2+$0x0], $0xffff  }
0x5e: {  	v61 =	vmul.f32 v23, v40;
	v43 =	vmul.f32 v45, v40;
	v40 =	vld.idx.msk [tilespmem:v50+s2+$0x0], $0xffff  }
0x5f: {  	v47 =	vmul.f32 v35, v46;
	v28 =	vadd.f32 v28, v62;
	v56 =	vadd.f32 v30, v56;
	v30 =	vld [tilespmem:s4+$0x200]  }
0x60: {  	v46 =	vmul.f32 v34, v46;
	v44 =	vadd.f32 v61, v44;
	v50 =	vmul.f32 v35, v52;
	v35 =	vld.idx.msk [tilespmem:v53+s2+$0x0], $0xffff  }
0x61: {  	v48 =	vadd.f32 v55, v51;
	v63 =	vadd.f32 v49, v28;
	v51 =	vmul.f32 v34, v52;
	v34 =	vld [tilespmem:s4+$0x400]  }
0x62: {  	v39 =	vmul.f32 v39, v52;
	v28 =	vadd.f32 v57, v56;
	v53 =	vmul.f32 v45, v20  }
0x63: {  	s6 =	simm.s32 $0x258;
	s5 =	simm.s32 $0x2F80;
	s3 =	simm.s32 $0x2F80;
	v45 =	vadd.f32 v54, v63;
	v49 =	vmul.f32 v32, v27;
	v52 =	vmul.f32 v21, v27  }
.LBB2_4:
0x64: {  	p1 =	sne.s32 s6, $0x1058;
	v54 =	vmul.f32 v9, v42;
	v55 =	vmul.f32 v14, v42;
	v33 =	vadd.f32 v33, v50;
	s5 =	sadd.s32 $0x10, s5;
	s4 =	sadd.s32 $0x10, s4  }
0x65: {  	v36 =	vadd.f32 v36, v47;
	v47 =	vmul.f32 v30, v22;
	s7 =	smov.u32 s6;
	s6 =	sadd.s32 $0x100, s6;
	v50 =	vadd.f32 v53, v51;
	[tilespmem:s3+$0x300] =	vst v45  }
0x66: {  	v31 =	vadd.f32 v31, v46;
	v44 =	vadd.f32 v52, v44;
	v45 =	vmul.f32 v34, v35  }
0x67: {  	v38 =	vadd.f32 v43, v38;
	v21 =	vmul.f32 v21, v40;
	v43 =	vmul.f32 v32, v40  }
0x68: {  	v46 =	vadd.f32 v49, v48;
	v48 =	vmul.f32 v30, v19;
	v42 =	vmul.f32 v34, v42  }
0x69: {  	v22 =	vmul.f32 v32, v22;
	v26 =	vadd.f32 v26, v41;
	v33 =	vadd.f32 v43, v33  }
0x6a: {  	v20 =	vmul.f32 v23, v20;
	v23 =	vmul.f32 v30, v40;
	v41 =	vadd.f32 v42, v46  }
0x6b: {  	v19 =	vmul.f32 v32, v19;
	v31 =	vadd.f32 v47, v31;
	v26 =	vadd.f32 v48, v26  }
0x6c: {  	v32 =	vmul.f32 v14, v29;
	v24 =	vadd.f32 v24, v37;
	v23 =	vadd.f32 v23, v50;
	[tilespmem:s3+$0xFFFFFB00] =	vst v41  }
0x6d: {  	v29 =	vmul.f32 v34, v29;
	v37 =	vadd.f32 v54, v44;
	v25 =	vadd.f32 v25, v26  }
0x6e: {  	v9 =	vmul.f32 v9, v35;
	v22 =	vadd.f32 v22, v36;
	v26 =	vadd.f32 v32, v31  }
0x6f: {  	v14 =	vmul.f32 v14, v35;
	v20 =	vadd.f32 v20, v39;
	v19 =	vadd.f32 v19, v24;
	[tilespmem:s3+$0x500] =	vst v25  }
0x70: {  	v24 =	vmul.f32 v30, v27;
	v5 =	vmul.f32 v34, v5;
	v22 =	vadd.f32 v29, v22;
	[tilespmem:s3+$0x200] =	vst v26  }
0x71: {  	v20 =	vadd.f32 v21, v20;
	v14 =	vadd.f32 v14, v23;
	[tilespmem:s3+$0x0] =	vst v28  }
0x72: {  	v21 =	vadd.f32 v24, v38;
	v23 =	vadd.f32 v45, v33;
	[tilespmem:s3+$0x100] =	vst v22  }
0x73: {  	v5 =	vadd.f32 v5, v19;
	v9 =	vadd.f32 v9, v20;
	[tilespmem:s3+$0xFFFFFF00] =	vst v14  }
0x74: {  	v14 =	vadd.f32 v55, v21;
	[tilespmem:s3+$0xFFFFFE00] =	vst v23  }
0x75: {  	v19 =	vadd.s32 s7, v1;
	[tilespmem:s3+$0xFFFFFD00] =	vst v9  }
0x76: {  	v20 =	vadd.s32 s7, v2;
	[tilespmem:s3+$0xFFFFFC00] =	vst v14  }
0x77: {  	v27 =	vadd.s32 s7, v13;
	[tilespmem:s3+$0xFFFFFA00] =	vst v37  }
0x78: {  	v14 =	vadd.s32 s7, v3;
	[tilespmem:s3+$0x400] =	vst v5;
	s3 =	smov.u32 s5  }
0x79: {  	v21 =	vld [tilespmem:s4+$0x0]  }
0x7a: {  	v45 =	vld [tilespmem:s4+$0xFFFFFF00]  }
0x7b: {  	v22 =	vadd.s32 s7, v4;
	v9 =	vld [tilespmem:s4+$0x300]  }
0x7c: {  	v5 =	vld.idx.msk [tilespmem:v19+s2+$0x0], $0xffff  }
0x7d: {  	v23 =	vadd.s32 s7, v6;
	v20 =	vld.idx.msk [tilespmem:v20+s2+$0x0], $0xffff  }
0x7e: {  	v19 =	vld.idx.msk [tilespmem:v14+s2+$0x0], $0xffff  }
0x7f: {  	v14 =	vld [tilespmem:s4+$0x500]  }
0x80: {  	v24 =	vadd.s32 s7, v7;
	v22 =	vld.idx.msk [tilespmem:v22+s2+$0x0], $0xffff  }
0x81: {  	v28 =	vld [tilespmem:s4+$0xFFFFFE00]  }
0x82: {  	v29 =	vld.idx.msk [tilespmem:v23+s2+$0x0], $0xffff  }
0x83: {  	v25 =	vadd.s32 s7, v0;
	v23 =	vld [tilespmem:s4+$0xFFFFFD00]  }
0x84: {  	v30 =	vadd.s32 s7, v8;
	v39 =	vld [tilespmem:s4+$0xFFFFFC00]  }
0x85: {  	v34 =	vadd.s32 s7, v11;
	v32 =	vadd.s32 s7, v12;
	v31 =	vadd.s32 s7, v10;
	v35 =	vld.idx.msk [tilespmem:v24+s2+$0x0], $0xffff  }
0x86: {  	v48 =	vld [tilespmem:s4+$0xFFFFFB00]  }
0x87: {  	v52 =	vld [tilespmem:s4+$0xFFFFFA00]  }
0x88: {  	v24 =	vmul.f32 v28, v29;
	v26 =	vmul.f32 v45, v29;
	v37 =	vld.idx.msk [tilespmem:v25+s2+$0x0], $0xffff  }
0x89: {  	v38 =	vadd.s32 s7, v16;
	v54 =	vmul.f32 v9, v5;
	v25 =	vmul.f32 v14, v5;
	v30 =	vld.idx.msk [tilespmem:v30+s2+$0x0], $0xffff  }
0x8a: {  	v33 =	vmul.f32 v28, v20;
	v46 =	vld.idx.msk [tilespmem:v31+s2+$0x0], $0xffff  }
0x8b: {  	v41 =	vmul.f32 v23, v35;
	v31 =	vmul.f32 v45, v35;
	v34 =	vld.idx.msk [tilespmem:v34+s2+$0x0], $0xffff  }
0x8c: {  	v40 =	vadd.s32 s7, v17;
	v49 =	vmul.f32 v21, v19;
	v36 =	vmul.f32 v28, v35;
	v53 =	vld.idx.msk [tilespmem:v32+s2+$0x0], $0xffff  }
0x8d: {  	v51 =	vmul.f32 v21, v22;
	v50 =	vmul.f32 v23, v29;
	v35 =	vadd.s32 s7, v15  }
0x8e: {  	v43 =	vmul.f32 v52, v37;
	v55 =	vmul.f32 v48, v37;
	v29 =	vld.idx.msk [tilespmem:v38+s2+$0x0], $0xffff  }
0x8f: {  	v56 =	vadd.s32 s7, v18;
	v44 =	vmul.f32 v23, v30;
	v38 =	vmul.f32 v39, v37;
	v32 =	vld [tilespmem:s4+$0x100]  }
0x90: {  	v28 =	vmul.f32 v28, v30;
	v37 =	vmul.f32 v52, v46;
	v27 =	vld.idx.msk [tilespmem:v27+s2+$0x0], $0xffff  }
0x91: {  	v44 =	vadd.f32 v44, v43;
	v43 =	vmul.f32 v45, v30;
	v57 =	vmul.f32 v52, v34;
	v42 =	vld.idx.msk [tilespmem:v40+s2+$0x0], $0xffff  }
0x92: {  	v47 =	vmul.f32 v48, v46;
	v58 =	vadd.f32 v41, v37;
	v41 =	vmul.f32 v39, v34;
	v40 =	vld.idx.msk [tilespmem:v35+s2+$0x0], $0xffff  }
.Ltmp2:
0x93: {  	v46 =	vmul.f32 v39, v46;
	v37 =	vmul.f32 v48, v34;
	v57 =	vadd.f32 v50, v57;
	v30 =	vld [tilespmem:s4+$0x200];
	(pc) =	sbr.rel @p1 .LBB2_4-.Ltmp2, $4  }
0x94: {  	v50 =	vmul.f32 v48, v53;
	v35 =	vld.idx.msk [tilespmem:v56+s2+$0x0], $0xffff;
	v56 =	vadd.f32 v51, v58;
	v58 =	vmul.f32 v9, v29  }
0x95: {  	v48 =	vadd.f32 v28, v55;
	v51 =	vmul.f32 v39, v53;
	v55 =	vadd.f32 v49, v57;
	v34 =	vld [tilespmem:s4+$0x400]  }
0x96: {  	v39 =	vmul.f32 v52, v53;
	v49 =	vmul.f32 v32, v27;
	v28 =	vadd.f32 v58, v56  }
0x97: {  	v53 =	vmul.f32 v45, v20;
	v52 =	vmul.f32 v21, v27;
	v45 =	vadd.f32 v54, v55  }
0x98: {  	v0 =	vmul.f32 v9, v42  }
0x99: {  	v1 =	vmul.f32 v14, v42;
	v2 =	vadd.f32 v33, v50;
	v4 =	vadd.f32 v36, v47  }
0x9a: {  	v6 =	vmul.f32 v30, v22;
	v10 =	vadd.f32 v31, v46;
	v11 =	vmul.f32 v32, v40  }
0x9b: {  	v12 =	vadd.f32 v43, v38;
	v13 =	vmul.f32 v21, v40;
	v15 =	vadd.f32 v49, v48  }
0x9c: {  	v17 =	vmul.f32 v30, v19;
	v18 =	vadd.f32 v26, v41;
	v62 =	vmul.f32 v30, v40  }
0x9d: {  	vm1 =	vcmask $0x2304;
	vm5 =	vcmask $0x3324;
	vm6 =	vcmask $0x704  }
0x9e: {  	vm7 =	vcmask $0xB08;
	vm8 =	vcmask $0xF0C;
	vm9 =	vcmask $0x1310  }
0x9f: {  	vm10 =	vcmask $0x1714;
	vm11 =	vcmask $0x1B18;
	vm12 =	vcmask $0x1F1C  }
0xa0: {  	vm13 =	vcmask $0x2320;
	vm14 =	vcmask $0x2724;
	vm15 =	vcmask $0x2B28  }
0xa1: {  	v3 =	vadd.f32 v53, v51;
	v7 =	vadd.f32 v52, v44;
	v9 =	vmul.f32 v9, v35  }
0xa2: {  	v8 =	vmul.f32 v34, v35;
	v16 =	vmul.f32 v34, v42;
	v2 =	vadd.f32 v11, v2  }
0xa3: {  	v11 =	vmul.f32 v32, v22;
	v6 =	vadd.f32 v6, v10;
	v10 =	vmul.f32 v32, v19  }
0xa4: {  	v17 =	vadd.f32 v17, v18;
	v18 =	vmul.f32 v14, v29;
	v19 =	vadd.f32 v24, v37  }
0xa5: {  	v14 =	vmul.f32 v14, v35;
	v5 =	vmul.f32 v34, v5;
	v3 =	vadd.f32 v62, v3  }
0xa6: {  	v63 =	vadd.f32 v0, v7;
	v0 =	vmul.f32 v34, v29;
	v15 =	vadd.f32 v16, v15  }
0xa7: {  	v16 =	vmul.f32 v23, v20;
	v7 =	vadd.f32 v25, v17;
	v4 =	vadd.f32 v11, v4  }
0xa8: {  	v6 =	vadd.f32 v18, v6;
	v8 =	vadd.f32 v8, v2;
	v2 =	vimm.s32 $0xFEDC9BA6  }
0xa9: {  	v10 =	vadd.f32 v10, v19;
	v17 =	vmul.f32 v30, v27;
	v2 =	vunpack.c.l.s4.s8 v2  }
0xaa: {  	v11 =	vadd.f32 v16, v39;
	v16 =	vimm.s32 $0x76543218;
	v4 =	vadd.f32 v0, v4  }
0xab: {  	v10 =	vadd.f32 v5, v10;
	v5 =	vimm.s32 $0x87354021;
	v0 =	vunpack.c.l.s4.s8 v16  }
0xac: {  	v5 =	vunpack.c.l.s4.s8 v5;
	v2 =	vunpack.c.0.s8.s32 v2;
	v11 =	vadd.f32 v13, v11  }
0xad: {  	v16 =	vimm.s32 $0xB;
	v13 =	vadd.f32 v14, v3;
	v3 =	vadd.f32 v17, v12  }
0xae: {  	v12 =	vimm.s32 $0x68435102;
	v14 =	vimm.s32 $0xB0A0900;
	[tilespmem:s3+$0x100] =	vst v4;
	v5 =	vunpack.c.0.s8.s32 v5  }
0xaf: {  	v4 =	vimm.s32 $0x0;
	[tilespmem:s3+$0x400] =	vst v10;
	v10 =	vimm.s32 $0x5;
	v0 =	vunpack.c.0.s8.s32 v0  }
0xb0: {  	[tilespmem:s3+$0xFFFFFB00] =	vst v15;
	v12 =	vunpack.c.l.s4.s8 v12;
	v2 =	vcombine.low v5, v2;
	v5 =	vimm.s32 $0xC00  }
0xb1: {  	[tilespmem:s3+$0x500] =	vst v7;
	v14 =	vunpack.c.0.s8.s32 v14;
	v9 =	vadd.f32 v9, v11;
	v5 =	vsel vm6, $0xC01, v5  }
0xb2: {  	[tilespmem:s3+$0x200] =	vst v6;
	v11 =	vimm.s32 $0xFEDCA9B7;
	v15 =	vadd.f32 v1, v3;
	v5 =	vsel vm7, $0xC02, v5  }
0xb3: {  	[tilespmem:s3+$0xFFFFFF00] =	vst v13;
	v13 =	vimm.s32 $0x8;
	v11 =	vunpack.c.l.s4.s8 v11;
	v6 =	vsel vm8, $0xC03, v5  }
0xb4: {  	[tilespmem:s3+$0xFFFFFE00] =	vst v8;
	v0 =	vand.u32 $0xF, v0;
	v12 =	vunpack.c.0.s8.s32 v12;
	v7 =	vsel vm9, $0xC04, v6  }
0xb5: {  	v0 =	vnsel vm1, $0x0, v0;
	[tilespmem:s3+$0xFFFFFD00] =	vst v9;
	v11 =	vunpack.c.0.s8.s32 v11;
	v8 =	vsel vm10, $0xC05, v7  }
0xb6: {  	[tilespmem:s3+$0xFFFFFC00] =	vst v15;
	v15 =	vimm.s32 $0xA;
	v0 =	vsel vm5, v14, v0;
	v9 =	vsel vm11, $0xC06, v8  }
0xb7: {  	[tilespmem:s3+$0x0] =	vst v28;
	v1 =	vand.u32 $0xF, v2;
	v3 =	vcombine.low v12, v11;
	v11 =	vsel vm12, $0xC07, v9  }
0xb8: {  	[tilespmem:s3+$0x300] =	vst v45;
	v5 =	vimm.s32 $0x3;
	v6 =	vimm.s32 $0x6;
	v11 =	vsel vm13, $0xC08, v11  }
0xb9: {  	[tilespmem:s3+$0xFFFFFA00] =	vst v63;
	v12 =	vimm.s32 $0x7;
	v7 =	vimm.s32 $0x9;
	v14 =	vsel vm14, $0xC09, v11  }
0xba: {  	s2 =	simm.s32 $0x0;
	v2 =	vand.u32 $0xF, v3;
	v3 =	vimm.s32 $0x1;
	v11 =	vld [tilespmem:$0xC0];
	v17 =	vsel vm15, $0xC0A, v14  }
0xbb: {  	s4 =	simm.s32 $0x1180;
	s5 =	simm.s32 $0x0;
	s3 =	simm.s32 $0x3580;
	v8 =	vimm.s32 $0x2;
	v9 =	vimm.s32 $0x4;
	v14 =	vld [tilespmem:$0x148];
	v17 =	vsel vm0, $0xC0B, v17  }
.LBB2_6:
0xbc: {  	s6 =	sxor.u32 $0x4, s5  }
0xbd: {  	s6 =	smul.u32 $0xC, s6;
	_ =	sdelay $0x1  }
0xbe: {  	v18 =	vadd.s32 s6, v0;
	_ =	sdelay $0x4  }
0xbf: {  	v18 =	vld.idx.msk [tilespmem:v18+s2+$0x0], $0xffff;
	_ =	sdelay $0x4  }
0xc0: {  	v19 =	vmul.f32 v18, v18;
	_ =	sdelay $0x1  }
0xc1: {  	v20 =	vperm.xlane v19, v1  }
0xc2: {  	s7 =	sxor.u32 $0x2, s5  }
0xc3: {  	s7 =	smul.u32 $0xC, s7;
	v20 =	vadd.f32 v20, v19;
	v19 =	vperm.xlane v19, v2;
	_ =	sdelay $0x1  }
0xc4: {  	v22 =	vadd.f32 v19, v20;
	v19 =	vadd.s32 s7, v0;
	_ =	sdelay $0x1  }
0xc5: {  	v20 =	vshra.s32 v22, $0x1;
	v21 =	vmul.f32 $5.000000000e-01, v22  }
0xc6: {  	v20 =	vsub.s32 $0x5F3759DF, v20  }
0xc7: {  	v23 =	vmul.f32 v20, v21  }
0xc8: {  	v19 =	vld.idx.msk [tilespmem:v19+s2+$0x0], $0xffff  }
0xc9: {  	v23 =	vmul.f32 v20, v23;
	_ =	sdelay $0x1  }
0xca: {  	v23 =	vsub.f32 $1.500000000e+00, v23;
	_ =	sdelay $0x1  }
0xcb: {  	v20 =	vmul.f32 v20, v23;
	v23 =	vmul.f32 v19, v19;
	_ =	sdelay $0x1  }
0xcc: {  	v24 =	vmul.f32 v20, v21;
	v25 =	vperm.xlane v23, v1;
	_ =	sdelay $0x1  }
0xcd: {  	v24 =	vmul.f32 v24, v20;
	v25 =	vadd.f32 v25, v23;
	v23 =	vperm.xlane v23, v2;
	_ =	sdelay $0x1  }
0xce: {  	v24 =	vsub.f32 $1.500000000e+00, v24;
	v27 =	vadd.f32 v23, v25;
	_ =	sdelay $0x1  }
0xcf: {  	s8 =	sxor.u32 $0x1, s5;
	v20 =	vmul.f32 v24, v20;
	v23 =	vshra.s32 v27, $0x1;
	v24 =	vmul.f32 $5.000000000e-01, v27  }
0xd0: {  	s8 =	smul.u32 $0xC, s8;
	v23 =	vsub.s32 $0x5F3759DF, v23  }
0xd1: {  	v21 =	vmul.f32 v20, v21;
	v25 =	vmul.f32 v23, v24  }
0xd2: {  	v26 =	vadd.s32 s8, v0  }
0xd3: {  	v21 =	vmul.f32 v21, v20;
	v25 =	vmul.f32 v23, v25;
	_ =	sdelay $0x1  }
0xd4: {  	v21 =	vsub.f32 $1.500000000e+00, v21;
	v25 =	vsub.f32 $1.500000000e+00, v25;
	_ =	sdelay $0x1  }
0xd5: {  	v21 =	vmul.f32 v21, v20;
	v23 =	vmul.f32 v23, v25;
	v20 =	vld.idx.msk [tilespmem:v26+s2+$0x0], $0xffff  }
0xd6: {  	v25 =	vld [tilespmem:$0x3680]  }
0xd7: {  	v26 =	vld [tilespmem:$0x3690];
	v22 =	vmul.f32 v21, v22;
	v28 =	vmul.f32 v23, v24  }
0xd8: {  	v29 =	vld [tilespmem:$0x3800]  }
0xd9: {  	v30 =	vperm.xlane v22, v4;
	v28 =	vmul.f32 v28, v23  }
0xda: {  	v32 =	vld [tilespmem:$0x36A0];
	s6 =	sadd.s32 $0x60, s6;
	v31 =	vperm.xlane v22, v5;
	v33 =	vmul.f32 v20, v20  }
0xdb: {  	v25 =	vmul.f32 v30, v25;
	v28 =	vsub.f32 $1.500000000e+00, v28;
	v30 =	vadd.s32 s6, v0  }
0xdc: {  	v26 =	vmul.f32 v31, v26;
	v31 =	vperm.xlane v33, v1  }
0xdd: {  	v34 =	vld [tilespmem:$0x36B0];
	v25 =	vadd.f32 v25, v29;
	v29 =	vperm.xlane v22, v6;
	v23 =	vmul.f32 v28, v23  }
0xde: {  	v28 =	vadd.f32 v31, v33;
	v31 =	vperm.xlane v33, v2  }
0xdf: {  	s26 =	sadd.s32 $0x60, s7;
	v25 =	vadd.f32 v26, v25;
	v26 =	vmul.f32 v29, v32;
	v24 =	vmul.f32 v23, v24  }
0xe0: {  	v29 =	vperm.xlane v22, v7;
	v28 =	vadd.f32 v31, v28;
	v22 =	vld.idx.msk [tilespmem:v30+s2+$0x0], $0xffff;
	v30 =	vadd.s32 s26, v0  }
0xe1: {  	v25 =	vadd.f32 v26, v25;
	v24 =	vmul.f32 v24, v23  }
0xe2: {  	s28 =	sadd.s32 $0x60, s8;
	v26 =	vmul.f32 v29, v34;
	v29 =	vshra.s32 v28, $0x1;
	v31 =	vmul.f32 $5.000000000e-01, v28  }
0xe3: {  	v42 =	vadd.s32 s28, v0;
	v24 =	vsub.f32 $1.500000000e+00, v24;
	v29 =	vsub.s32 $0x5F3759DF, v29  }
0xe4: {  	v26 =	vadd.f32 v26, v25;
	v43 =	vmul.f32 v29, v31  }
0xe5: {  	v25 =	vmul.f32 v24, v23;
	v44 =	vmul.f32 v22, v22;
	v23 =	vld.idx.msk [tilespmem:v30+s2+$0x0], $0xffff  }
0xe6: {  	v24 =	vmul.f32 $1.442695020e+00, v26;
	v33 =	vmul.f32 v29, v43;
	_ =	sdelay $0x1  }
0xe7: {  	v35 =	vperm.xlane v44, v1;
	(erf) = vpow2.f32 v24;
	v24 =	vld.idx.msk [tilespmem:v42+s2+$0x0], $0xffff;
	v33 =	vsub.f32 $1.500000000e+00, v33  }
0xe8: {  	v27 =	vmul.f32 v25, v27;
	v34 =	vperm.xlane v44, v2  }
0xe9: {  	v35 =	vadd.f32 v35, v44;
	v29 =	vmul.f32 v29, v33;
	v46 =	vmul.f32 v23, v23  }
0xea: {  	v30 =	vld [tilespmem:$0x36C0];
	v45 =	vperm.xlane v27, v4;
	v36 =	vperm.xlane v27, v5  }
0xeb: {  	v34 =	vadd.f32 v34, v35;
	v48 =	vmul.f32 v29, v31;
	v37 =	vperm.xlane v46, v1  }
0xec: {  	v40 =	vmul.f32 v24, v24;
	v33 =	vperm.xlane v46, v2  }
0xed: {  	v38 =	vshra.s32 v34, $0x1;
	v39 =	vmul.f32 $5.000000000e-01, v34;
	v37 =	vadd.f32 v37, v46  }
0xee: {  	v47 =	vld [tilespmem:$0x36D0];
	v38 =	vsub.s32 $0x5F3759DF, v38;
	v42 =	vperm.xlane v40, v1;
	v35 =	vmul.f32 v48, v29  }
0xef: {  	v30 =	vmul.f32 v45, v30;
	v41 =	vmul.f32 v38, v39;
	v33 =	vadd.f32 v33, v37  }
0xf0: {  	v50 =	vadd.f32 v42, v40;
	v40 =	vperm.xlane v40, v2;
	v35 =	vsub.f32 $1.500000000e+00, v35  }
0xf1: {  	v49 =	vmul.f32 v38, v41;
	v51 =	vshra.s32 v33, $0x1;
	v42 =	vmul.f32 $5.000000000e-01, v33  }
0xf2: {  	v37 =	vadd.f32 v40, v50;
	v29 =	vmul.f32 v35, v29;
	v41 =	vsub.s32 $0x5F3759DF, v51  }
0xf3: {  	v32 =	vmul.f32 v36, v47;
	v36 =	vsub.f32 $1.500000000e+00, v49;
	v52 =	vmul.f32 v41, v42  }
0xf4: {  	v54 =	vshra.s32 v37, $0x1;
	v43 =	vmul.f32 $5.000000000e-01, v37;
	v31 =	vmul.f32 v29, v31  }
0xf5: {  	v53 =	vld [tilespmem:$0x36E0];
	v36 =	vmul.f32 v38, v36;
	v38 =	vsub.s32 $0x5F3759DF, v54;
	v35 =	vmul.f32 v41, v52  }
0xf6: {  	v55 =	vld [tilespmem:$0x36F0];
	v45 =	vmul.f32 v38, v43;
	v31 =	vmul.f32 v31, v29  }
0xf7: {  	v56 =	vperm.xlane v27, v7;
	v44 =	vmul.f32 v36, v39;
	v35 =	vsub.f32 $1.500000000e+00, v35  }
0xf8: {  	v46 =	vperm.xlane v27, v6;
	v45 =	vmul.f32 v38, v45;
	v31 =	vsub.f32 $1.500000000e+00, v31  }
0xf9: {  	v44 =	vmul.f32 v44, v36;
	v35 =	vmul.f32 v41, v35  }
0xfa: {  	v40 =	vmul.f32 v46, v53;
	v45 =	vsub.f32 $1.500000000e+00, v45;
	v27 =	vmul.f32 v31, v29  }
0xfb: {  	v41 =	vmul.f32 v56, v55;
	v44 =	vsub.f32 $1.500000000e+00, v44;
	v29 =	vmul.f32 v35, v42  }
0xfc: {  	v38 =	vmul.f32 v38, v45;
	v28 =	vmul.f32 v27, v28  }
0xfd: {  	v31 =	vld [tilespmem:$0x3810];
	v36 =	vmul.f32 v44, v36;
	v29 =	vmul.f32 v29, v35  }
0xfe: {  	v57 =	vld [tilespmem:$0x3700];
	v47 =	vmul.f32 v38, v43;
	v59 =	vperm.xlane v28, v4  }
0xff: {  	v58 =	vld [tilespmem:$0x3710];
	v48 =	vperm.xlane v28, v5;
	v39 =	vmul.f32 v36, v39;
	v29 =	vsub.f32 $1.500000000e+00, v29  }
0x100: {  	v53 =	vperm.xlane v28, v6;
	v47 =	vmul.f32 v47, v38  }
0x101: {  	v63 =	vld [tilespmem:$0x3730];
	v39 =	vmul.f32 v39, v36;
	v29 =	vmul.f32 v29, v35  }
0x102: {  	v28 =	vperm.xlane v28, v7;
	v30 =	vadd.f32 v30, v31;
	v31 =	vld [tilespmem:$0x3820];
	v62 =	vsub.f32 $1.500000000e+00, v47  }
0x103: {  	v61 =	vld [tilespmem:$0x3720];
	v60 =	vmul.f32 v59, v57;
	v39 =	vsub.f32 $1.500000000e+00, v39;
	v42 =	vmul.f32 v29, v42  }
0x104: {  	v45 =	vmul.f32 v48, v58;
	v38 =	vmul.f32 v62, v38  }
0x105: {  	v54 =	vld [tilespmem:$0x3740];
	v30 =	vadd.f32 v32, v30;
	v32 =	vmul.f32 v39, v36;
	v42 =	vmul.f32 v42, v29  }
0x106: {  	v52 =	vld [tilespmem:$0x3830];
	v28 =	vmul.f32 v28, v63;
	v43 =	vmul.f32 v38, v43  }
0x107: {  	v55 =	vld [tilespmem:$0x3750];
	v31 =	vadd.f32 v60, v31;
	v34 =	vmul.f32 v32, v34;
	v42 =	vsub.f32 $1.500000000e+00, v42  }
0x108: {  	v56 =	vld [tilespmem:$0x3760];
	v30 =	vadd.f32 v40, v30;
	v39 =	vmul.f32 v53, v61;
	v43 =	vmul.f32 v43, v38  }
0x109: {  	v58 =	vld [tilespmem:$0x3770];
	v31 =	vadd.f32 v45, v31;
	v57 =	vperm.xlane v34, v4;
	v29 =	vmul.f32 v42, v29  }
0x10a: {  	v61 =	vld [tilespmem:$0x3780];
	v60 =	vperm.xlane v34, v5;
	v62 =	vperm.xlane v34, v6;
	v43 =	vsub.f32 $1.500000000e+00, v43  }
0x10b: {  	v59 =	vld [tilespmem:$0x3840];
	v30 =	vadd.f32 v41, v30;
	v34 =	vperm.xlane v34, v7;
	v33 =	vmul.f32 v29, v33  }
0x10c: {  	v63 =	vld [tilespmem:$0x3790];
	v31 =	vadd.f32 v39, v31;
	v41 =	vmul.f32 v57, v54;
	v38 =	vmul.f32 v43, v38  }
0x10d: {  	v49 =	vld [tilespmem:$0x37A0];
	v40 =	vmul.f32 v60, v55;
	v51 =	vperm.xlane v33, v4  }
0x10e: {  	v28 =	vadd.f32 v28, v31;
	v50 =	vmul.f32 v62, v56;
	v55 =	vld [tilespmem:$0x37D0];
	v37 =	vmul.f32 v38, v37  }
0x10f: {  	v36 =	vadd.f32 v41, v52;
	v52 =	vld [tilespmem:$0x37C0];
	v54 =	vperm.xlane v33, v5;
	v31 =	vmul.f32 v51, v61  }
0x110: {  	v34 =	vmul.f32 v34, v58;
	v56 =	vld [tilespmem:$0x37B0];
	v57 =	vperm.xlane v37, v4  }
0x111: {  	v53 =	vld [tilespmem:$0x3850];
	v58 =	vmul.f32 v54, v63;
	v31 =	vadd.f32 v31, v59;
	v59 =	vperm.xlane v33, v6  }
0x112: {  	v60 =	vld [tilespmem:$0x37E0];
	v36 =	vadd.f32 v40, v36;
	v62 =	vperm.xlane v37, v5;
	v48 =	vperm.xlane v37, v6  }
0x113: {  	v33 =	vperm.xlane v33, v7;
	v31 =	vadd.f32 v58, v31;
	v63 =	vmul.f32 v59, v49  }
0x114: {  	v37 =	vperm.xlane v37, v7;
	v36 =	vadd.f32 v50, v36;
	v61 =	vmul.f32 v57, v52  }
0x115: {  	v45 =	vld [tilespmem:$0x37F0];
	v47 =	vmul.f32 v62, v55;
	v33 =	vmul.f32 v33, v56;
	v31 =	vadd.f32 v63, v31  }
0x116: {  	v34 =	vadd.f32 v34, v36;
	v36 =	vadd.f32 v61, v53;
	v49 =	vmul.f32 $1.442695020e+00, v30  }
0x117: {  	v51 =	vmul.f32 $1.442695020e+00, v28;
	v50 =	vmul.f32 v48, v60;
	v31 =	vadd.f32 v33, v31  }
0x118: {  	v53 =	vmul.f32 $1.442695020e+00, v34;
	v36 =	vadd.f32 v47, v36;
	(erf) = vpow2.f32 v49  }
0x119: {  	(erf) = vpow2.f32 v51;
	v54 =	vmul.f32 $1.442695020e+00, v31  }
0x11a: {  	v37 =	vmul.f32 v37, v45;
	v52 =	vadd.f32 v50, v36;
	(erf) = vpow2.f32 v53  }
0x11b: {  	(erf) = vpow2.f32 v54  }
0x11c: {  	v35 =	vadd.f32 v37, v52;
	_ =	sdelay $0x1  }
0x11d: {  	v55 =	vmul.f32 $1.442695020e+00, v35;
	_ =	sdelay $0x1  }
0x11e: {  	v56 =	vpop (erf);
	(erf) = vpow2.f32 v55  }
0x11f: {  	v33 =	vadd.f32 $-1.000000000e+00, v56;
	v57 =	vpop (erf)  }
0x120: {  	vm0 =	vgt.f32 v26, $0.0e+00;
	v58 =	vpop (erf);
	v36 =	vadd.f32 $-1.000000000e+00, v57  }
0x121: {  	vm11 =	vgt.f32 v30, $0.0e+00;
	v26 =	vsel vm0, v26, v33;
	v59 =	vpop (erf)  }
0x122: {  	v18 =	vmul.f32 v26, v18;
	v26 =	vsel vm11, v30, v36;
	v60 =	vpop (erf)  }
0x123: {  	v19 =	vmul.f32 v26, v19;
	v26 =	vadd.f32 $-1.000000000e+00, v60;
	_ =	sdelay $0x1  }
0x124: {  	vm12 =	vgt.f32 v34, $0.0e+00;
	v30 =	vadd.f32 $-1.000000000e+00, v59  }
0x125: {  	vm13 =	vgt.f32 v31, $0.0e+00;
	v18 =	vmul.f32 v21, v18;
	v21 =	vadd.f32 $-1.000000000e+00, v58  }
0x126: {  	v30 =	vsel vm12, v34, v30;
	v19 =	vmul.f32 v25, v19;
	v25 =	vsel vm13, v31, v26;
	v26 =	vpop (erf)  }
0x127: {  	vm14 =	vgt.f32 v28, $0.0e+00;
	v22 =	vmul.f32 v30, v22;
	v26 =	vadd.f32 $-1.000000000e+00, v26  }
0x128: {  	vm15 =	vgt.f32 v35, $0.0e+00;
	v21 =	vsel vm14, v28, v21;
	v23 =	vmul.f32 v25, v23  }
0x129: {  	v20 =	vmul.f32 v21, v20;
	v21 =	vmul.f32 v32, v22;
	v22 =	vsel vm15, v35, v26  }
0x12a: {  	v23 =	vmul.f32 v29, v23;
	v22 =	vmul.f32 v22, v24  }
0x12b: {  	s6 =	smul.u32 $0xC, s5;
	v18 =	vadd.f32 v19, v18  }
0x12c: {  	v19 =	vmul.f32 v27, v20;
	v20 =	vadd.f32 v23, v21;
	v21 =	vmul.f32 v38, v22  }
0x12d: {  	v22 =	vadd.s32 s6, v0  }
0x12e: {  	v18 =	vadd.f32 v19, v18;
	v19 =	vadd.f32 v21, v20;
	_ =	sdelay $0x1  }
0x12f: {  	v29 =	vadd.f32 v19, v18;
	_ =	sdelay $0x1  }
0x130: {  	s29 =	simm.s32 $0x2980;
	[tilespmem:v22+s2+$0x0] =	vst.idx.msk $0xfff, v29  }
0x131: {  	s30 =	sand.u32 $0xF0, s2;
	v21 =	vld [tilespmem:s29+$0x0]  }
0x132: {  	v22 =	vld [tilespmem:s30+$0x2A80];
	_ =	sdelay $0x1  }
0x133: {  	v23 =	vld [tilespmem:s30+$0x2B80]  }
0x134: {  	v19 =	vperm.xlane v29, v4;
	v20 =	vperm.xlane v29, v3  }
0x135: {  	v18 =	vperm.xlane v29, v8;
	v24 =	vld [tilespmem:s30+$0x2C80]  }
0x136: {  	v25 =	vmul.f32 v21, v19;
	v22 =	vmul.f32 v22, v20  }
0x137: {  	v26 =	vld [tilespmem:s30+$0x2D80]  }
0x138: {  	v21 =	vperm.xlane v29, v5;
	v23 =	vmul.f32 v23, v18;
	v25 =	vadd.f32 v22, v25  }
0x139: {  	v27 =	vld [tilespmem:s30+$0x2E80]  }
0x13a: {  	v22 =	vperm.xlane v29, v9;
	v24 =	vmul.f32 v24, v21;
	v25 =	vadd.f32 v23, v25  }
0x13b: {  	v28 =	vld [tilespmem:s30+$0x2F80]  }
0x13c: {  	v23 =	vperm.xlane v29, v10;
	v26 =	vmul.f32 v26, v22;
	v25 =	vadd.f32 v24, v25  }
0x13d: {  	v30 =	vld [tilespmem:s30+$0x3080]  }
0x13e: {  	v24 =	vperm.xlane v29, v6;
	v27 =	vmul.f32 v27, v23;
	v26 =	vadd.f32 v26, v25  }
0x13f: {  	v31 =	vld [tilespmem:s30+$0x3180]  }
0x140: {  	v25 =	vperm.xlane v29, v12;
	v28 =	vmul.f32 v28, v24;
	v27 =	vadd.f32 v27, v26  }
0x141: {  	v61 =	vld [tilespmem:s30+$0x3280]  }
0x142: {  	v26 =	vperm.xlane v29, v13;
	v30 =	vmul.f32 v30, v25;
	v28 =	vadd.f32 v28, v27  }
0x143: {  	v62 =	vld [tilespmem:s30+$0x3380]  }
0x144: {  	v27 =	vperm.xlane v29, v7;
	v31 =	vmul.f32 v31, v26;
	v30 =	vadd.f32 v30, v28  }
0x145: {  	v63 =	vld [tilespmem:s30+$0x3480]  }
0x146: {  	v28 =	vperm.xlane v29, v15;
	v30 =	vadd.f32 v31, v30;
	v31 =	vmul.f32 v61, v27;
	_ =	sdelay $0x1  }
0x147: {  	v29 =	vperm.xlane v29, v16;
	v30 =	vadd.f32 v31, v30;
	v31 =	vmul.f32 v62, v28;
	_ =	sdelay $0x1  }
0x148: {  	v30 =	vadd.f32 v31, v30;
	v31 =	vmul.f32 v63, v29;
	_ =	sdelay $0x1  }
0x149: {  	v30 =	vadd.f32 v31, v30;
	_ =	sdelay $0x1  }
0x14a: {  	s31 =	simm.s32 $0x10;
	s9 =	simm.s32 $0x2990;
	v31 =	vimm.f32 $-Inf;
	[tilespmem:s3+$0x0] =	vst v30  }
0x14b: {  	s10 =	simm.s32 $0x20;
	s8 =	sand.u32 $0xF0, s31;
	s7 =	simm.s32 $0x3580;
	v30 =	vmax.f32 v31, v30;
	v31 =	vld [tilespmem:s9+$0x0]  }
.LBB2_7:
0x14c: {  	p1 =	sne.s32 s10, $0xF0;
	v32 =	vld [tilespmem:s8+$0x2A80];
	_ =	sdelay $0x1  }
0x14d: {  	v33 =	vld [tilespmem:s8+$0x2B80];
	_ =	sdelay $0x1  }
0x14e: {  	v34 =	vld [tilespmem:s8+$0x2C80]  }
0x14f: {  	v31 =	vmul.f32 v31, v19;
	v32 =	vmul.f32 v32, v20  }
0x150: {  	v35 =	vld [tilespmem:s8+$0x2D80]  }
0x151: {  	v31 =	vadd.f32 v32, v31;
	v32 =	vmul.f32 v33, v18  }
0x152: {  	v33 =	vld [tilespmem:s8+$0x2E80]  }
0x153: {  	v31 =	vadd.f32 v32, v31;
	v32 =	vmul.f32 v34, v21  }
0x154: {  	v34 =	vld [tilespmem:s8+$0x2F80]  }
0x155: {  	v31 =	vadd.f32 v32, v31;
	v32 =	vmul.f32 v35, v22  }
0x156: {  	v35 =	vld [tilespmem:s8+$0x3080]  }
0x157: {  	v31 =	vadd.f32 v32, v31;
	v32 =	vmul.f32 v33, v23  }
0x158: {  	v33 =	vld [tilespmem:s8+$0x3180]  }
0x159: {  	v31 =	vadd.f32 v32, v31;
	v32 =	vmul.f32 v34, v24  }
0x15a: {  	v34 =	vld [tilespmem:s8+$0x3280]  }
0x15b: {  	v31 =	vadd.f32 v32, v31;
	v32 =	vmul.f32 v35, v25  }
0x15c: {  	v35 =	vld [tilespmem:s8+$0x3380]  }
0x15d: {  	v31 =	vadd.f32 v32, v31;
	v32 =	vmul.f32 v33, v26  }
0x15e: {  	v33 =	vld [tilespmem:s8+$0x3480]  }
0x15f: {  	v31 =	vadd.f32 v32, v31;
	v32 =	vmul.f32 v34, v27;
	_ =	sdelay $0x1  }
0x160: {  	v31 =	vadd.f32 v32, v31;
	v32 =	vmul.f32 v35, v28;
	_ =	sdelay $0x1  }
0x161: {  	v31 =	vadd.f32 v32, v31;
	v32 =	vmul.f32 v33, v29  }
.Ltmp3:
0x162: {  	(pc) =	sbr.rel @p1 .LBB2_7-.Ltmp3, $4  }
0x163: {  	v31 =	vadd.f32 v32, v31  }
0x164: {  	s7 =	sadd.s32 $0x10, s7  }
0x165: {  	s9 =	sadd.s32 $0x10, s9;
	[tilespmem:s7+$0x0] =	vst v31;
	v30 =	vmax.f32 v30, v31  }
0x166: {  	s8 =	sand.u32 $0xF0, s10;
	s10 =	sadd.s32 $0x10, s10;
	v31 =	vld [tilespmem:s9+$0x0]  }
0x167: {  	v32 =	vld [tilespmem:s8+$0x2A80];
	_ =	sdelay $0x1  }
0x168: {  	v33 =	vld [tilespmem:s8+$0x2B80];
	_ =	sdelay $0x1  }
0x169: {  	v34 =	vld [tilespmem:s8+$0x2C80]  }
0x16a: {  	v19 =	vmul.f32 v31, v19;
	v20 =	vmul.f32 v32, v20  }
0x16b: {  	v46 =	vld [tilespmem:s8+$0x2D80]  }
0x16c: {  	v18 =	vmul.f32 v33, v18;
	v19 =	vadd.f32 v20, v19  }
0x16d: {  	v47 =	vld [tilespmem:s8+$0x2E80]  }
0x16e: {  	v18 =	vadd.f32 v18, v19;
	v19 =	vmul.f32 v34, v21  }
0x16f: {  	v48 =	vld [tilespmem:s8+$0x2F80]  }
0x170: {  	v18 =	vadd.f32 v19, v18;
	v19 =	vmul.f32 v46, v22  }
0x171: {  	v49 =	vld [tilespmem:s8+$0x3080]  }
0x172: {  	v18 =	vadd.f32 v19, v18;
	v19 =	vmul.f32 v47, v23  }
0x173: {  	v50 =	vld [tilespmem:s8+$0x3180]  }
0x174: {  	v18 =	vadd.f32 v19, v18;
	v19 =	vmul.f32 v48, v24  }
0x175: {  	v51 =	vld [tilespmem:s8+$0x3280]  }
0x176: {  	v18 =	vadd.f32 v19, v18;
	v19 =	vmul.f32 v49, v25  }
0x177: {  	v52 =	vld [tilespmem:s8+$0x3380]  }
0x178: {  	v18 =	vadd.f32 v19, v18;
	v19 =	vmul.f32 v50, v26  }
0x179: {  	v53 =	vld [tilespmem:s8+$0x3480]  }
0x17a: {  	v18 =	vadd.f32 v19, v18;
	v19 =	vmul.f32 v51, v27;
	_ =	sdelay $0x1  }
0x17b: {  	v18 =	vadd.f32 v19, v18;
	v19 =	vmul.f32 v52, v28;
	_ =	sdelay $0x1  }
0x17c: {  	v18 =	vadd.f32 v19, v18;
	v19 =	vmul.f32 v53, v29;
	_ =	sdelay $0x1  }
0x17d: {  	v18 =	vadd.f32 v19, v18;
	_ =	sdelay $0x1  }
0x17e: {  	v19 =	vmax.f32 v30, v18  }
0x17f: {  	(xrf0) =	vmax.scan.msk.f32 $0xffff, v19;
	_ =	sdelay $0x1  }
0x180: {  	s7 =	sadd.s32 $0x10, s7  }
0x181: {  	[tilespmem:s7+$0x0] =	vst v18  }
0x182: {  	v19 =	vld [tilespmem:$0x3580];
	_ =	sdelay $0x1  }
0x183: {  	v54 =	vld [tilespmem:$0x3590];
	v18, _, _ =	vpop (xrf0)  }
0x184: {  	v18 =	vbroadcast v18, $0xF;
	_ =	sdelay $0x1  }
0x185: {  	v19 =	vsub.f32 v19, v18  }
0x186: {  	v55 =	vld [tilespmem:$0x35A0]  }
0x187: {  	v20 =	vsub.f32 v54, v18;
	v19 =	vmul.f32 $1.442695020e+00, v19  }
0x188: {  	v56 =	vld [tilespmem:$0x35B0]  }
0x189: {  	(erf) = vpow2.f32 v19;
	v19 =	vmul.f32 $1.442695020e+00, v20  }
0x18a: {  	v57 =	vld [tilespmem:$0x35C0]  }
0x18b: {  	v21 =	vsub.f32 v55, v18;
	(erf) = vpow2.f32 v19;
	v19 =	vld [tilespmem:$0x35D0];
	_ =	sdelay $0x1  }
0x18c: {  	v58 =	vld [tilespmem:$0x35E0];
	v22 =	vsub.f32 v56, v18;
	v21 =	vmul.f32 $1.442695020e+00, v21;
	_ =	sdelay $0x1  }
0x18d: {  	v60 =	vld [tilespmem:$0x35F0];
	v59 =	vmul.f32 $1.442695020e+00, v22;
	v20 =	vsub.f32 v57, v18;
	(erf) = vpow2.f32 v21  }
0x18e: {  	v61 =	vld [tilespmem:$0x3600];
	v19 =	vsub.f32 v19, v18  }
0x18f: {  	v20 =	vmul.f32 $1.442695020e+00, v20;
	(erf) = vpow2.f32 v59  }
0x190: {  	v63 =	vsub.f32 v58, v18;
	v19 =	vmul.f32 $1.442695020e+00, v19  }
0x191: {  	v62 =	vpop (erf);
	(erf) = vpow2.f32 v20  }
0x192: {  	v30 =	vsub.f32 v60, v18;
	v29 =	vpop (erf);
	(erf) = vpow2.f32 v19;
	v19 =	vmul.f32 $1.442695020e+00, v63  }
0x193: {  	v31 =	vld [tilespmem:$0x3610];
	v32 =	vsub.f32 v61, v18  }
0x194: {  	v33 =	vld [tilespmem:$0x3620];
	v28 =	vadd.f32 $0.0e+00, v62;
	(erf) = vpow2.f32 v19;
	v19 =	vmul.f32 $1.442695020e+00, v30;
	_ =	sdelay $0x1  }
0x195: {  	v23 =	vadd.f32 v29, v28;
	v34 =	vpop (erf);
	(erf) = vpow2.f32 v19;
	v19 =	vmul.f32 $1.442695020e+00, v32  }
0x196: {  	v35 =	vld [tilespmem:$0x3630]  }
0x197: {  	v22 =	vsub.f32 v31, v18;
	v36 =	vpop (erf);
	v23 =	vadd.f32 v34, v23;
	(erf) = vpow2.f32 v19;
	v19 =	vld [tilespmem:$0x3640]  }
0x198: {  	v21 =	vsub.f32 v33, v18  }
0x199: {  	v38 =	vld [tilespmem:$0x3650];
	v22 =	vmul.f32 $1.442695020e+00, v22;
	v23 =	vadd.f32 v36, v23  }
0x19a: {  	v21 =	vmul.f32 $1.442695020e+00, v21;
	v37 =	vpop (erf)  }
0x19b: {  	v41 =	vld [tilespmem:$0x3660];
	v20 =	vsub.f32 v35, v18;
	(erf) = vpow2.f32 v22;
	v23 =	vadd.f32 v37, v23  }
0x19c: {  	v39 =	vpop (erf);
	v19 =	vsub.f32 v19, v18  }
0x19d: {  	v44 =	vld [tilespmem:$0x3670];
	v20 =	vmul.f32 $1.442695020e+00, v20;
	(erf) = vpow2.f32 v21;
	v40 =	vadd.f32 v39, v23  }
0x19e: {  	v46 =	vsub.f32 v38, v18;
	v42 =	vpop (erf);
	v19 =	vmul.f32 $1.442695020e+00, v19  }
0x19f: {  	v43 =	vadd.f32 v42, v40;
	v45 =	vpop (erf);
	(erf) = vpow2.f32 v20  }
0x1a0: {  	v48 =	vsub.f32 v41, v18;
	v47 =	vpop (erf);
	(erf) = vpow2.f32 v19;
	v19 =	vmul.f32 $1.442695020e+00, v46  }
0x1a1: {  	v21 =	vadd.f32 v45, v43  }
0x1a2: {  	v49 =	vsub.f32 v44, v18;
	(erf) = vpow2.f32 v19;
	v19 =	vmul.f32 $1.442695020e+00, v48  }
0x1a3: {  	v21 =	vadd.f32 v47, v21  }
0x1a4: {  	v50 =	vpop (erf);
	(erf) = vpow2.f32 v19;
	v19 =	vmul.f32 $1.442695020e+00, v49  }
0x1a5: {  	v21 =	vadd.f32 v50, v21  }
0x1a6: {  	v51 =	vpop (erf)  }
0x1a7: {  	v20 =	vadd.f32 v51, v21;
	(erf) = vpow2.f32 v19  }
0x1a8: {  	v19 =	vpop (erf)  }
0x1a9: {  	v19 =	vadd.f32 v19, v20  }
0x1aa: {  	v52 =	vpop (erf)  }
0x1ab: {  	v19 =	vadd.f32 v52, v19  }
0x1ac: {  	v53 =	vpop (erf)  }
0x1ad: {  	v19 =	vadd.f32 v53, v19  }
0x1ae: {  	v54 =	vpop (erf)  }
0x1af: {  	v19 =	vadd.f32 v54, v19  }
0x1b0: {  	v55 =	vpop (erf)  }
0x1b1: {  	v19 =	vadd.f32 v55, v19;
	_ =	sdelay $0x1  }
0x1b2: {  	(xrf2) =	vadd.scan.msk.f32 $0xffff, v19;
	_ =	sdelay $0x9  }
0x1b3: {  	v19, _, _ =	vpop (xrf2)  }
0x1b4: {  	v19 =	vbroadcast v19, $0xF;
	_ =	sdelay $0x1  }
0x1b5: {  	v56 =	vand.u32 $0x7FFFFF, v19  }
0x1b6: {  	v20 =	vor.u32 $0x3F800000, v56  }
0x1b7: {  	v57 =	vmul.f32 $5.000000000e-01, v20  }
0x1b8: {  	vm0 =	vgt.f32 v20, $1.414213540e+00  }
0x1b9: {  	v20 =	vsel vm0, v57, v20  }
0x1ba: {  	v21 =	vadd.f32 $1.000000000e+00, v20;
	_ =	sdelay $0x1  }
0x1bb: {  	(erf) = vrcp.f32 v21;
	_ =	sdelay $0x7  }
0x1bc: {  	v20 =	vadd.f32 $-1.000000000e+00, v20  }
0x1bd: {  	v21 =	vpop (erf)  }
0x1be: {  	v20 =	vmul.f32 v21, v20;
	_ =	sdelay $0x1  }
0x1bf: {  	v21 =	vmul.f32 v20, v20;
	_ =	sdelay $0x1  }
0x1c0: {  	v58 =	vmul.f32 $1.111111120e-01, v21;
	_ =	sdelay $0x1  }
0x1c1: {  	v22 =	vadd.f32 $1.428571490e-01, v58;
	_ =	sdelay $0x1  }
0x1c2: {  	v22 =	vmul.f32 v22, v21;
	_ =	sdelay $0x1  }
0x1c3: {  	v59 =	vmov s5;
	v22 =	vadd.f32 $2.000000030e-01, v22  }
0x1c4: {  	v23 =	vperm.xlane v14, v59  }
0x1c5: {  	v22 =	vmul.f32 v22, v21  }
0x1c6: {  	v19 =	vshrl.u32 v19, $0x17  }
0x1c7: {  	v19 =	vand.u32 $0xFF, v19;
	v60 =	vsel vm0, $0x1, v4;
	v22 =	vadd.f32 $3.333333430e-01, v22  }
0x1c8: {  	v19 =	vadd.s32 v60, v19  }
0x1c9: {  	v61 =	vmul.u32 $0xC, v23;
	v19 =	vadd.s32 $0xFFFFFF81, v19;
	v21 =	vmul.f32 v22, v21  }
0x1ca: {  	v23 =	vld.idx.msk [tilespmem:v23+s3+$0x0], $0xffff;
	v19 =	vcvt.s32.f32 v19  }
0x1cb: {  	v20 =	vadd.f32 v20, v20;
	v22 =	vadd.s32 v17, v61;
	v21 =	vadd.f32 $1.000000000e+00, v21;
	_ =	sdelay $0x1  }
0x1cc: {  	v19 =	vmul.f32 $6.931471820e-01, v19;
	v20 =	vmul.f32 v21, v20;
	_ =	sdelay $0x1  }
0x1cd: {  	s6 =	sadd.s32 $0x60, s6;
	s5 =	sadd.s32 $0x1, s5;
	v18 =	vsub.f32 v23, v18;
	v19 =	vadd.f32 v20, v19  }
0x1ce: {  	p1 =	sne.s32 s5, $0x8;
	v63 =	vadd.s32 s6, v0;
	v62 =	vld.idx.msk [tilespmem:v22+s4+$0x0], $0xffff  }
.Ltmp4:
0x1cf: {  	v18 =	vsub.f32 v18, v19;
	(pc) =	sbr.rel @p1 .LBB2_6-.Ltmp4, $3  }
0x1d0: {  	_ = 	snop  }
0x1d1: {  	v18 =	vmul.f32 $5.000000000e-01, v18;
	_ =	sdelay $0x1  }
0x1d2: {  	[tilespmem:v63+s2+$0x0] =	vst.idx.msk $0xfff, v62;
	v11 =	vadd.f32 v18, v11  }
0x1d3: {  	_ = 	snop  }
0x1d4: {  	s2 =	simm.s32 $0x0;
	s31 =	simm.s32 $0x2;
	[tilespmem:$0xC0] =	vst v11  }
0x1d5: {  	[hbm4b:s1+s2] =	stream.linear.scatter [tilespmem:s2], [sflag:$0x2], $0xD0, $0x38;
	[tilespmem:$0x3880] =	vst v63  }
0x1d6: {  	_ =	swait.ge [sflag:s31], $0xD0  }
0x1d7: {  	[sflag:s31] =	ssyncset.done $0x0  }
0x1d8: {  	[sflag:s31] =	ssyncadd.s32 $0xFFFFFF30  }
.LBB2_10:
0x1d9: {  	_ =	sfence.sel $0x180000  }
0x1da: {  	[bflag:$0x0] =	sbarrier.arrive $0xFFFF  }
0x1db: {  	_ =	strace $0x90000047  }
0x1dc: {  	s0 =	sadd.s32 @!p0 $0x100000, s0;
	[bflag:$0x2] =	sbarrier.arrive $0xFFFF  }
0x1dd: {  	[sflag:s0] =	ssyncadd.tile.s32 @!p0 $0x1;
	_ =	shalt  }
.Lfunc_end2:
_tile_overlayer_lowered:
.L_overlay_start_2:
0x1de: {  	(tag) =	ssettag $0x2  }
0x1df: {  	s0 =	rddreg [dreg:$0x0];
	s2 =	stileid.u32  }
0x1e0: {  	s1 =	rddreg [dreg:$0x1];
	p0 =	sne.s32 s2, $0x0  }
0x1e1: {  	s3 =	rddreg [dreg:$0x2];
	[bflag:$0x3] =	sbarrier.arrive $0xFFFF;
	s2 =	simm.s32 @!p0 $0x1C02  }
0x1e2: {  	[timem:s3], [sflag:s2] =	dma.local @!p0 [hbm:s0], s1  }
0x1e3: {  	s0 =	simm.s32 @!p0 $0x2  }
0x1e4: {  	_ =	swait.ge @!p0 [sflag:s0], s1  }
0x1e5: {  	s1 =	ssub.s32 @!p0 $0x0, s1;
	[sflag:s0] =	ssyncset.done @!p0 $0x0  }
0x1e6: {  	[sflag:s0] =	ssyncadd.s32 @!p0 s1  }
0x1e7: {  	[bflag:$0x3] =	sbarrier.arrive $0xFFFF  }
0x1e8: {  	_ =	shalt  }

</sc_bundles>
